<compile_context>
chip_gen: v7x
topology: tpu7x:2x2x1
jax: 0.10.2.dev20260603
libtpu: 0.0.44.dev20260713+nightly
codegen_flags: <defaults>
</compile_context>

<pallas_src>
import functools

import jax
import jax.numpy as jnp
from jax import lax
from jax.experimental import pallas as pl
from jax.experimental.pallas import tpu as pltpu
from jax.experimental.pallas import tpu_sc as plsc

TOP_K = 8
NUM_EXPERTS = 64
HIDDEN = 768
TOKENS = 32768
BT = 4096
NW = 32
TPW = TOKENS // NW


def _gate_block(hs_ref, gw_ref, lg_ref):
    lt = jax.lax.dot_general(
        gw_ref[...], hs_ref[...],
        dimension_numbers=(((1,), (1,)), ((), ())),
        preferred_element_type=jnp.float32,
    )
    lg_ref[...] = lt.T


def _gate_logits(hidden_states, gate_weight):
    return pl.pallas_call(
        _gate_block,
        grid=(TOKENS // BT,),
        in_specs=[
            pl.BlockSpec((BT, HIDDEN), lambda t: (t, 0)),
            pl.BlockSpec((NUM_EXPERTS, HIDDEN), lambda t: (0, 0)),
        ],
        out_specs=pl.BlockSpec((BT, NUM_EXPERTS), lambda t: (t, 0)),
        out_shape=jax.ShapeDtypeStruct((TOKENS, NUM_EXPERTS), jnp.float32),
        compiler_params=pltpu.CompilerParams(
            dimension_semantics=("arbitrary",),
        ),
    )(hidden_states, gate_weight)


@functools.partial(
    pl.kernel,
    mesh=plsc.VectorSubcoreMesh(core_axis_name="c", subcore_axis_name="s"),
    out_type=[
        jax.ShapeDtypeStruct((TOKENS * TOP_K,), jnp.float32),
        jax.ShapeDtypeStruct((TOKENS * TOP_K,), jnp.int32),
    ],
    scratch_types=[
        pltpu.VMEM((TPW * NUM_EXPERTS,), jnp.float32),
        pltpu.VMEM((TPW * TOP_K + 8,), jnp.float32),
        pltpu.VMEM((TPW * TOP_K + 8,), jnp.int32),
    ],
    compiler_params=pltpu.CompilerParams(needs_layout_passes=False),
)
def _sc_topk(lg_hbm, w_hbm, i_hbm, slab, wbuf, ibuf):
    wid = lax.axis_index("s") * 2 + lax.axis_index("c")
    base = wid * TPW
    pltpu.sync_copy(lg_hbm.at[pl.ds(base * NUM_EXPERTS, TPW * NUM_EXPERTS)],
                    slab)
    lanes = lax.iota(jnp.int32, 16)
    v0 = lanes
    v1 = lanes + 16
    v2 = lanes + 32
    v3 = lanes + 48
    mask8 = lanes < TOP_K

    @plsc.parallel_loop(0, TPW, 1, unroll=8)
    def body(t):
        off = t * NUM_EXPERTS
        k0 = slab[pl.ds(off, 16)]
        k1 = slab[pl.ds(off + 16, 16)]
        k2 = slab[pl.ds(off + 32, 16)]
        k3 = slab[pl.ds(off + 48, 16)]
        s0k, s0v = plsc.sort_key_val(k0, v0, descending=True)
        s1k, s1v = plsc.sort_key_val(k1, v1, descending=False)
        s2k, s2v = plsc.sort_key_val(k2, v2, descending=True)
        s3k, s3v = plsc.sort_key_val(k3, v3, descending=False)
        c0 = s0k >= s1k
        h0k = jnp.where(c0, s0k, s1k)
        h0v = jnp.where(c0, s0v, s1v)
        c1 = s2k >= s3k
        h1k = jnp.where(c1, s2k, s3k)
        h1v = jnp.where(c1, s2v, s3v)
        m0k, m0v = plsc.sort_key_val(h0k, h0v, descending=True)
        m1k, m1v = plsc.sort_key_val(h1k, h1v, descending=False)
        cf = m0k >= m1k
        fk = jnp.where(cf, m0k, m1k)
        fv = jnp.where(cf, m0v, m1v)
        tk, tv = plsc.sort_key_val(fk, fv, descending=True)
        e = jnp.exp(tk - tk[0])
        e8 = jnp.where(mask8, e, jnp.float32(0.0))
        w = e8 / jnp.sum(e8)
        plsc.store_compressed(wbuf.at[pl.ds(t * TOP_K, 16)], w, mask=mask8)
        plsc.store_compressed(ibuf.at[pl.ds(t * TOP_K, 16)], tv, mask=mask8)

    pltpu.sync_copy(wbuf.at[pl.ds(0, TPW * TOP_K)],
                    w_hbm.at[pl.ds(base * TOP_K, TPW * TOP_K)])
    pltpu.sync_copy(ibuf.at[pl.ds(0, TPW * TOP_K)],
                    i_hbm.at[pl.ds(base * TOP_K, TPW * TOP_K)])


@jax.jit
def kernel(hidden_states, gate_weight):
    lg = _gate_logits(hidden_states, gate_weight)
    w_flat, i_flat = _sc_topk(lg.reshape(-1))
    return (w_flat.reshape(TOKENS, TOP_K), i_flat.reshape(TOKENS, TOP_K))

# --- scband reference (transcript-rebuilt; emitter-appended) ---
"""Pipeline reference for scband-yua-top-krouter-61881888800981 (READ-ONLY COPY).

The authoritative reference and input builder live on the scoring server;
editing this copy changes nothing except your own understanding.
"""

import jax, jax.numpy as jnp
import numpy as np

TOP_K = 8
NUM_EXPERTS = 64
HIDDEN = 768
TOKENS = 32768

def setup_inputs(seed: int = 0) -> dict:
    key = jax.random.key(seed)
    k1, k2 = jax.random.split(key)
    hidden_states = jax.random.normal(k1, (TOKENS, HIDDEN), dtype=jnp.float32)
    # gate weight, torch nn.Linear(hidden, E, bias=False): weight shape [E, hidden]
    gate_weight = jax.random.normal(k2, (NUM_EXPERTS, HIDDEN), dtype=jnp.float32) * (1.0 / np.sqrt(HIDDEN))
    return {"hidden_states": hidden_states, "gate_weight": gate_weight}

def reference(hidden_states, gate_weight):
    # logits = hidden_states @ gate_weight.T  (nn.Linear semantics)
    logits = jnp.dot(hidden_states, gate_weight.T)
    topk_weight, topk_idx = jax.lax.top_k(logits, TOP_K)
    topk_weight = jax.nn.softmax(topk_weight, axis=-1)
    return (topk_weight, topk_idx)

if __name__ == "__main__":
    import jax
    _d = setup_inputs()
    print(jax.jit(kernel)(*tuple(_d.values())))

</pallas_src>

<mosaic_0001>
#map = affine_map<(d0, d1) -> (0)>
module attributes {stable_mosaic.version = 14 : i64} {
  func.func @_sc_topk(%arg0: i32, %arg1: i32, %arg2: memref<2097152xf32, #tpu.memory_space<hbm>>, %arg3: memref<262144xf32, #tpu.memory_space<hbm>>, %arg4: memref<262144xi32, #tpu.memory_space<hbm>>, %arg5: memref<65536xf32, #tpu.memory_space<vmem>>, %arg6: memref<8200xf32, #tpu.memory_space<vmem>>, %arg7: memref<8200xi32, #tpu.memory_space<vmem>>) attributes {dimension_semantics = [#tpu.dimension_semantics<core_parallel>, #tpu.dimension_semantics<subcore_parallel>], iteration_bounds = array<i64: 2, 16>, scalar_prefetch = 0 : i64, scratch_operands = 3 : i64, tpu.core_type = #tpu.core_type<sc_vector_subcore>, window_params = [{transform_indices = #map}, {transform_indices = #map}, {transform_indices = #map}]} {
    %mul3A = arith.constant 2 : i32
    %mul3A_0 = arith.muli %arg1, %mul3A : i32
    %add3A = arith.addi %mul3A_0, %arg0 : i32
    %mul3A_1 = arith.constant 1024 : i32
    %mul3A_2 = arith.muli %add3A, %mul3A_1 : i32
    %mul3A_3 = arith.constant 64 : i32
    %mul3A_4 = arith.muli %mul3A_2, %mul3A_3 : i32
    "tpu.region"() ({
      %run_scoped3A = tpu.sem_alloc : memref<!tpu.dma_semaphore, #tpu.memory_space<semaphore_mem>>
      %dma_start3A = tpu.memref_slice %arg2[%mul3A_4] : memref<2097152xf32, #tpu.memory_space<hbm>> -> memref<65536xf32, #tpu.memory_space<hbm>>
      %dma_start3A_22 = tpu.memref_slice %arg2[%mul3A_4] : memref<2097152xf32, #tpu.memory_space<hbm>> -> memref<65536xf32, #tpu.memory_space<hbm>>
      tpu.enqueue_dma source(%dma_start3A_22 : memref<65536xf32, #tpu.memory_space<hbm>>) target(%arg5 : memref<65536xf32, #tpu.memory_space<vmem>>) target_semaphore(%run_scoped3A : memref<!tpu.dma_semaphore, #tpu.memory_space<semaphore_mem>>)
      %dma_wait3A = tpu.memref_slice %arg2[%mul3A_4] : memref<2097152xf32, #tpu.memory_space<hbm>> -> memref<65536xf32, #tpu.memory_space<hbm>>
      %dma_wait3A_23 = tpu.memref_slice %arg2[%mul3A_4] : memref<2097152xf32, #tpu.memory_space<hbm>> -> memref<65536xf32, #tpu.memory_space<hbm>>
      tpu.wait_dma2 semaphore(%run_scoped3A : memref<!tpu.dma_semaphore, #tpu.memory_space<semaphore_mem>>) src(%dma_wait3A_23 : memref<65536xf32, #tpu.memory_space<hbm>>) dst(%arg5 : memref<65536xf32, #tpu.memory_space<vmem>>)
      tpu.yield
    }) : () -> ()
    %iota3A = tpu.iota {dimensions = array<i32: 0>} : vector<16xi32>
    %add3A_5 = arith.constant 16 : i32
    %add3A_6 = vector.broadcast %add3A_5 : i32 to vector<16xi32>
    %add3A_7 = arith.addi %iota3A, %add3A_6 : vector<16xi32>
    %add3A_8 = arith.constant 32 : i32
    %add3A_9 = vector.broadcast %add3A_8 : i32 to vector<16xi32>
    %add3A_10 = arith.addi %iota3A, %add3A_9 : vector<16xi32>
    %add3A_11 = arith.constant 48 : i32
    %add3A_12 = vector.broadcast %add3A_11 : i32 to vector<16xi32>
    %add3A_13 = arith.addi %iota3A, %add3A_12 : vector<16xi32>
    %lt3A = arith.constant 8 : i32
    %lt3A_14 = vector.broadcast %lt3A : i32 to vector<16xi32>
    %lt3A_15 = arith.cmpi slt, %iota3A, %lt3A_14 : vector<16xi32>
    %parallel_loop3A = arith.constant 0 : i32
    %parallel_loop3A_16 = arith.constant 1024 : i32
    %parallel_loop3A_17 = arith.constant 1 : i32
    scf.for %parallel_loop3A_22 = %parallel_loop3A to %parallel_loop3A_16 step %parallel_loop3A_17  : i32 {
      %parallel_loop3A_23 = arith.constant 64 : i32
      %parallel_loop3A_24 = arith.muli %parallel_loop3A_22, %parallel_loop3A_23 : i32
      %parallel_loop3A_25 = arith.index_cast %parallel_loop3A_24 : i32 to index
      %parallel_loop3A_26 = tpu.vector_load %arg5[%parallel_loop3A_25] {strides = array<i32>} : memref<65536xf32, #tpu.memory_space<vmem>>, vector<16xf32>,
      %parallel_loop3A_27 = arith.constant 16 : i32
      %parallel_loop3A_28 = arith.addi %parallel_loop3A_24, %parallel_loop3A_27 : i32
      %parallel_loop3A_29 = arith.index_cast %parallel_loop3A_28 : i32 to index
      %parallel_loop3A_30 = tpu.vector_load %arg5[%parallel_loop3A_29] {strides = array<i32>} : memref<65536xf32, #tpu.memory_space<vmem>>, vector<16xf32>,
      %parallel_loop3A_31 = arith.constant 32 : i32
      %parallel_loop3A_32 = arith.addi %parallel_loop3A_24, %parallel_loop3A_31 : i32
      %parallel_loop3A_33 = arith.index_cast %parallel_loop3A_32 : i32 to index
      %parallel_loop3A_34 = tpu.vector_load %arg5[%parallel_loop3A_33] {strides = array<i32>} : memref<65536xf32, #tpu.memory_space<vmem>>, vector<16xf32>,
      %parallel_loop3A_35 = arith.constant 48 : i32
      %parallel_loop3A_36 = arith.addi %parallel_loop3A_24, %parallel_loop3A_35 : i32
      %parallel_loop3A_37 = arith.index_cast %parallel_loop3A_36 : i32 to index
      %parallel_loop3A_38 = tpu.vector_load %arg5[%parallel_loop3A_37] {strides = array<i32>} : memref<65536xf32, #tpu.memory_space<vmem>>, vector<16xf32>,
      %parallel_loop3A_39 = arith.constant dense<true> : vector<16xi1>
      %parallel_loop3A_40, %parallel_loop3A_41, %parallel_loop3A_42 = tpu.sort %parallel_loop3A_26, %iota3A masked %parallel_loop3A_39 {descending = true} : (vector<16xf32>, vector<16xi32>, vector<16xi1>) -> (vector<16xi1>, vector<16xf32>, vector<16xi32>)
      %parallel_loop3A_43 = arith.constant dense<true> : vector<16xi1>
      %parallel_loop3A_44, %parallel_loop3A_45, %parallel_loop3A_46 = tpu.sort %parallel_loop3A_30, %add3A_7 masked %parallel_loop3A_43 : (vector<16xf32>, vector<16xi32>, vector<16xi1>) -> (vector<16xi1>, vector<16xf32>, vector<16xi32>)
      %parallel_loop3A_47 = arith.constant dense<true> : vector<16xi1>
      %parallel_loop3A_48, %parallel_loop3A_49, %parallel_loop3A_50 = tpu.sort %parallel_loop3A_34, %add3A_10 masked %parallel_loop3A_47 {descending = true} : (vector<16xf32>, vector<16xi32>, vector<16xi1>) -> (vector<16xi1>, vector<16xf32>, vector<16xi32>)
      %parallel_loop3A_51 = arith.constant dense<true> : vector<16xi1>
      %parallel_loop3A_52, %parallel_loop3A_53, %parallel_loop3A_54 = tpu.sort %parallel_loop3A_38, %add3A_13 masked %parallel_loop3A_51 : (vector<16xf32>, vector<16xi32>, vector<16xi1>) -> (vector<16xi1>, vector<16xf32>, vector<16xi32>)
      %parallel_loop3A_55 = arith.cmpf oge, %parallel_loop3A_41, %parallel_loop3A_45 : vector<16xf32>
      %parallel_loop3A_56 = arith.select %parallel_loop3A_55, %parallel_loop3A_41, %parallel_loop3A_45 : vector<16xi1>, vector<16xf32>
      %parallel_loop3A_57 = arith.select %parallel_loop3A_55, %parallel_loop3A_42, %parallel_loop3A_46 : vector<16xi1>, vector<16xi32>
      %parallel_loop3A_58 = arith.cmpf oge, %parallel_loop3A_49, %parallel_loop3A_53 : vector<16xf32>
      %parallel_loop3A_59 = arith.select %parallel_loop3A_58, %parallel_loop3A_49, %parallel_loop3A_53 : vector<16xi1>, vector<16xf32>
      %parallel_loop3A_60 = arith.select %parallel_loop3A_58, %parallel_loop3A_50, %parallel_loop3A_54 : vector<16xi1>, vector<16xi32>
      %parallel_loop3A_61 = arith.constant dense<true> : vector<16xi1>
      %parallel_loop3A_62, %parallel_loop3A_63, %parallel_loop3A_64 = tpu.sort %parallel_loop3A_56, %parallel_loop3A_57 masked %parallel_loop3A_61 {descending = true} : (vector<16xf32>, vector<16xi32>, vector<16xi1>) -> (vector<16xi1>, vector<16xf32>, vector<16xi32>)
      %parallel_loop3A_65 = arith.constant dense<true> : vector<16xi1>
      %parallel_loop3A_66, %parallel_loop3A_67, %parallel_loop3A_68 = tpu.sort %parallel_loop3A_59, %parallel_loop3A_60 masked %parallel_loop3A_65 : (vector<16xf32>, vector<16xi32>, vector<16xi1>) -> (vector<16xi1>, vector<16xf32>, vector<16xi32>)
      %parallel_loop3A_69 = arith.cmpf oge, %parallel_loop3A_63, %parallel_loop3A_67 : vector<16xf32>
      %parallel_loop3A_70 = arith.select %parallel_loop3A_69, %parallel_loop3A_63, %parallel_loop3A_67 : vector<16xi1>, vector<16xf32>
      %parallel_loop3A_71 = arith.select %parallel_loop3A_69, %parallel_loop3A_64, %parallel_loop3A_68 : vector<16xi1>, vector<16xi32>
      %parallel_loop3A_72 = arith.constant dense<true> : vector<16xi1>
      %parallel_loop3A_73, %parallel_loop3A_74, %parallel_loop3A_75 = tpu.sort %parallel_loop3A_70, %parallel_loop3A_71 masked %parallel_loop3A_72 {descending = true} : (vector<16xf32>, vector<16xi32>, vector<16xi1>) -> (vector<16xi1>, vector<16xf32>, vector<16xi32>)
      %parallel_loop3A_76 = vector.extract_strided_slice %parallel_loop3A_74 {offsets = [0], sizes = [1], strides = [1]} : vector<16xf32> to vector<1xf32>
      %parallel_loop3A_77 = vector.extract %parallel_loop3A_76[0] : f32 from vector<1xf32>
      %parallel_loop3A_78 = vector.broadcast %parallel_loop3A_77 : f32 to vector<16xf32>
      %parallel_loop3A_79 = arith.subf %parallel_loop3A_74, %parallel_loop3A_78 : vector<16xf32>
      %parallel_loop3A_80 = math.exp %parallel_loop3A_79 : vector<16xf32>
      %parallel_loop3A_81 = arith.constant 0.000000e+00 : f32
      %parallel_loop3A_82 = vector.broadcast %parallel_loop3A_81 : f32 to vector<16xf32>
      %parallel_loop3A_83 = arith.select %lt3A_15, %parallel_loop3A_80, %parallel_loop3A_82 : vector<16xi1>, vector<16xf32>
      %parallel_loop3A_84 = arith.constant true
      %parallel_loop3A_85 = vector.broadcast %parallel_loop3A_84 : i1 to vector<16xi1>
      %parallel_loop3A_86 = tpu.scan <sum>, %parallel_loop3A_83 masked %parallel_loop3A_85 : vector<16xf32>, vector<16xi1> -> vector<16xf32>
      %parallel_loop3A_87 = vector.extract %parallel_loop3A_86[15] : f32 from vector<16xf32>
      %parallel_loop3A_88 = vector.broadcast %parallel_loop3A_87 : f32 to vector<16xf32>
      %parallel_loop3A_89 = arith.divf %parallel_loop3A_83, %parallel_loop3A_88 : vector<16xf32>
      %parallel_loop3A_90 = arith.constant 8 : i32
      %parallel_loop3A_91 = arith.muli %parallel_loop3A_22, %parallel_loop3A_90 : i32
      %parallel_loop3A_92 = arith.index_cast %parallel_loop3A_91 : i32 to index
      %parallel_loop3A_93 = tpu.vector_load %arg6[%parallel_loop3A_92] masked %lt3A_15 {strides = array<i32>} : memref<8200xf32, #tpu.memory_space<vmem>>, vector<16xf32>, vector<16xi1>
      tpu.vector_store %arg6[%parallel_loop3A_92], %parallel_loop3A_89 masked %lt3A_15 {strides = array<i32>} : memref<8200xf32, #tpu.memory_space<vmem>>, vector<16xf32>, vector<16xi1>
      %parallel_loop3A_94 = arith.constant 8 : i32
      %parallel_loop3A_95 = arith.muli %parallel_loop3A_22, %parallel_loop3A_94 : i32
      %parallel_loop3A_96 = arith.index_cast %parallel_loop3A_95 : i32 to index
      %parallel_loop3A_97 = tpu.vector_load %arg7[%parallel_loop3A_96] masked %lt3A_15 {strides = array<i32>} : memref<8200xi32, #tpu.memory_space<vmem>>, vector<16xi32>, vector<16xi1>
      tpu.vector_store %arg7[%parallel_loop3A_96], %parallel_loop3A_75 masked %lt3A_15 {strides = array<i32>} : memref<8200xi32, #tpu.memory_space<vmem>>, vector<16xi32>, vector<16xi1>
    } {sc.loop_unroll_factor = 8 : i64, sc.parallel_access}
    %mul3A_18 = arith.constant 8 : i32
    %mul3A_19 = arith.muli %mul3A_2, %mul3A_18 : i32
    "tpu.region"() ({
      %run_scoped3A = tpu.sem_alloc : memref<!tpu.dma_semaphore, #tpu.memory_space<semaphore_mem>>
      %dma_start3A = arith.constant 0 : i32
      %dma_start3A_22 = tpu.memref_slice %arg6[%dma_start3A] : memref<8200xf32, #tpu.memory_space<vmem>> -> memref<8192xf32, #tpu.memory_space<vmem>>
      %dma_start3A_23 = tpu.memref_slice %arg3[%mul3A_19] : memref<262144xf32, #tpu.memory_space<hbm>> -> memref<8192xf32, #tpu.memory_space<hbm>>
      %dma_start3A_24 = tpu.memref_slice %arg3[%mul3A_19] : memref<262144xf32, #tpu.memory_space<hbm>> -> memref<8192xf32, #tpu.memory_space<hbm>>
      %dma_start3A_25 = arith.constant 0 : i32
      %dma_start3A_26 = tpu.memref_slice %arg6[%dma_start3A_25] : memref<8200xf32, #tpu.memory_space<vmem>> -> memref<8192xf32, #tpu.memory_space<vmem>>
      tpu.enqueue_dma source(%dma_start3A_26 : memref<8192xf32, #tpu.memory_space<vmem>>) target(%dma_start3A_24 : memref<8192xf32, #tpu.memory_space<hbm>>) target_semaphore(%run_scoped3A : memref<!tpu.dma_semaphore, #tpu.memory_space<semaphore_mem>>)
      %dma_wait3A = arith.constant 0 : i32
      %dma_wait3A_27 = tpu.memref_slice %arg6[%dma_wait3A] : memref<8200xf32, #tpu.memory_space<vmem>> -> memref<8192xf32, #tpu.memory_space<vmem>>
      %dma_wait3A_28 = tpu.memref_slice %arg3[%mul3A_19] : memref<262144xf32, #tpu.memory_space<hbm>> -> memref<8192xf32, #tpu.memory_space<hbm>>
      %dma_wait3A_29 = tpu.memref_slice %arg3[%mul3A_19] : memref<262144xf32, #tpu.memory_space<hbm>> -> memref<8192xf32, #tpu.memory_space<hbm>>
      %dma_wait3A_30 = arith.constant 0 : i32
      %dma_wait3A_31 = tpu.memref_slice %arg6[%dma_wait3A_30] : memref<8200xf32, #tpu.memory_space<vmem>> -> memref<8192xf32, #tpu.memory_space<vmem>>
      tpu.wait_dma2 semaphore(%run_scoped3A : memref<!tpu.dma_semaphore, #tpu.memory_space<semaphore_mem>>) src(%dma_wait3A_31 : memref<8192xf32, #tpu.memory_space<vmem>>) dst(%dma_wait3A_29 : memref<8192xf32, #tpu.memory_space<hbm>>)
      tpu.yield
    }) : () -> ()
    %mul3A_20 = arith.constant 8 : i32
    %mul3A_21 = arith.muli %mul3A_2, %mul3A_20 : i32
    "tpu.region"() ({
      %run_scoped3A = tpu.sem_alloc : memref<!tpu.dma_semaphore, #tpu.memory_space<semaphore_mem>>
      %dma_start3A = arith.constant 0 : i32
      %dma_start3A_22 = tpu.memref_slice %arg7[%dma_start3A] : memref<8200xi32, #tpu.memory_space<vmem>> -> memref<8192xi32, #tpu.memory_space<vmem>>
      %dma_start3A_23 = tpu.memref_slice %arg4[%mul3A_21] : memref<262144xi32, #tpu.memory_space<hbm>> -> memref<8192xi32, #tpu.memory_space<hbm>>
      %dma_start3A_24 = tpu.memref_slice %arg4[%mul3A_21] : memref<262144xi32, #tpu.memory_space<hbm>> -> memref<8192xi32, #tpu.memory_space<hbm>>
      %dma_start3A_25 = arith.constant 0 : i32
      %dma_start3A_26 = tpu.memref_slice %arg7[%dma_start3A_25] : memref<8200xi32, #tpu.memory_space<vmem>> -> memref<8192xi32, #tpu.memory_space<vmem>>
      tpu.enqueue_dma source(%dma_start3A_26 : memref<8192xi32, #tpu.memory_space<vmem>>) target(%dma_start3A_24 : memref<8192xi32, #tpu.memory_space<hbm>>) target_semaphore(%run_scoped3A : memref<!tpu.dma_semaphore, #tpu.memory_space<semaphore_mem>>)
      %dma_wait3A = arith.constant 0 : i32
      %dma_wait3A_27 = tpu.memref_slice %arg7[%dma_wait3A] : memref<8200xi32, #tpu.memory_space<vmem>> -> memref<8192xi32, #tpu.memory_space<vmem>>
      %dma_wait3A_28 = tpu.memref_slice %arg4[%mul3A_21] : memref<262144xi32, #tpu.memory_space<hbm>> -> memref<8192xi32, #tpu.memory_space<hbm>>
      %dma_wait3A_29 = tpu.memref_slice %arg4[%mul3A_21] : memref<262144xi32, #tpu.memory_space<hbm>> -> memref<8192xi32, #tpu.memory_space<hbm>>
      %dma_wait3A_30 = arith.constant 0 : i32
      %dma_wait3A_31 = tpu.memref_slice %arg7[%dma_wait3A_30] : memref<8200xi32, #tpu.memory_space<vmem>> -> memref<8192xi32, #tpu.memory_space<vmem>>
      tpu.wait_dma2 semaphore(%run_scoped3A : memref<!tpu.dma_semaphore, #tpu.memory_space<semaphore_mem>>) src(%dma_wait3A_31 : memref<8192xi32, #tpu.memory_space<vmem>>) dst(%dma_wait3A_29 : memref<8192xi32, #tpu.memory_space<hbm>>)
      tpu.yield
    }) : () -> ()
    return
  }
}

module attributes {stable_mosaic.version = 14 : i64} {
  func.func @_gate_block(%arg0: i32, %arg1: memref<4096x768xf32, #tpu.memory_space<vmem>>, %arg2: memref<64x768xf32, #tpu.memory_space<vmem>>, %arg3: memref<4096x64xf32, #tpu.memory_space<vmem>>) attributes {dimension_semantics = [#tpu.dimension_semantics<arbitrary>], iteration_bounds = array<i64: 8>, scalar_prefetch = 0 : i64, scratch_operands = 0 : i64, tpu.core_type = #tpu.core_type<tc>, window_params = [{transform_indices = @transform_0, window_bounds = array<i64: 4096, 768>}, {pipeline_mode = #tpu.pipeline_mode<synchronous>, transform_indices = @transform_1, window_bounds = array<i64: 64, 768>}, {transform_indices = @transform_2, window_bounds = array<i64: 4096, 64>}]} {
    %get3A = arith.constant 0 : index
    %get3A_0 = arith.constant 0 : index
    %get3A_1 = vector.load %arg2[%get3A, %get3A_0] : memref<64x768xf32, #tpu.memory_space<vmem>>, vector<64x768xf32>
    %get3A_2 = arith.constant 0 : index
    %get3A_3 = arith.constant 0 : index
    %get3A_4 = vector.load %arg1[%get3A_2, %get3A_3] : memref<4096x768xf32, #tpu.memory_space<vmem>>, vector<4096x768xf32>
    %dot_general3A = arith.constant dense<0.000000e+00> : vector<64x4096xf32>
    %dot_general3A_5 = tpu.matmul %get3A_1, %get3A_4, %dot_general3A {dimension_numbers = #tpu.dot_dimension_numbers<[1], [1], [0], [0], [0, 0, 1, 0], [], []>, transpose_lhs_hint = false} : vector<64x768xf32>, vector<4096x768xf32>, vector<64x4096xf32> -> vector<64x4096xf32>
    %transpose3A = tpu.transpose %dot_general3A_5, [1, 0] : vector<64x4096xf32> -> vector<4096x64xf32>
    %swap3A = arith.constant 0 : index
    %swap3A_6 = arith.constant 0 : index
    %swap3A_7 = vector.load %arg3[%swap3A, %swap3A_6] : memref<4096x64xf32, #tpu.memory_space<vmem>>, vector<4096x64xf32>
    tpu.vector_store %arg3[%swap3A, %swap3A_6], %transpose3A {strides = array<i32>} : memref<4096x64xf32, #tpu.memory_space<vmem>>, vector<4096x64xf32>,
    return
  }
  func.func @transform_0(%arg0: i32) -> (i32, i32) {
    %c0_i32 = arith.constant 0 : i32
    %c0_i32_0 = arith.constant 0 : i32
    return %arg0, %c0_i32 : i32, i32
  }
  func.func @transform_1(%arg0: i32) -> (i32, i32) {
    %c0_i32 = arith.constant 0 : i32
    %c0_i32_0 = arith.constant 0 : i32
    %c0_i32_1 = arith.constant 0 : i32
    return %c0_i32, %c0_i32_0 : i32, i32
  }
  func.func @transform_2(%arg0: i32) -> (i32, i32) {
    %c0_i32 = arith.constant 0 : i32
    %c0_i32_0 = arith.constant 0 : i32
    return %arg0, %c0_i32 : i32, i32
  }
}

</mosaic_0001>

<sc_bundles>
// kernel: kernel.4.cloned.1.call-start
scs
__scs_entry_jumppad:
0x0: {  	(pc) =	sbr.rel $0x88, $3  }
0x1: {  	(tag) =	ssettag $0x0;
	lr =	simm.s32 $0x1  }
0x2: {  	[smem:$0x3F9F] =	sst lr;
	_ =	strace $0xD0000000  }
0x3: {  	_ = 	snop  }
0x4: {  	_ = 	snop  }
0x5: {  	_ = 	snop  }
0x6: {  	_ = 	snop  }
0x7: {  	_ = 	snop  }
__scs_overlays_trampoline_lowered:
0x8: {  	[smem:$0x3FAE] =	sst s0  }
0x9: {  	[smem:$0x3FAF] =	sst s1  }
0xa: {  	[smem:$0x3FB0] =	sst s2  }
0xb: {  	[smem:$0x3FB1] =	sst s3  }
0xc: {  	[smem:$0x3FB2] =	sst s4  }
0xd: {  	[smem:$0x3FB3] =	sst s5  }
0xe: {  	[smem:$0x3FB4] =	sst s6  }
0xf: {  	[smem:$0x3FB5] =	sst s7  }
0x10: {  	[smem:$0x3FB6] =	sst s8  }
0x11: {  	[smem:$0x3FB7] =	sst s9;
	s0 =	simm.s32 @!p0 $0x0  }
0x12: {  	s1 =	sld [smem:$0x3F9D];
	s0 =	simm.s32 @p0 $0x1  }
0x13: {  	[smem:$0x3FB8] =	sst s0;
	s0 =	simm.s32 @!p1 $0x0  }
0x14: {  	s2 =	sld [smem:$0x3F9C];
	s0 =	simm.s32 @p1 $0x1  }
0x15: {  	[smem:$0x3FB9] =	sst s0;
	s0 =	simm.s32 @!p2 $0x0  }
0x16: {  	s3 =	sld [smem:$0x3FDB];
	s0 =	simm.s32 @p2 $0x1  }
0x17: {  	s4 =	simm.s32 $0x1BF5;
	[smem:$0x3FBB] =	sst s0  }
0x18: {  	s0 =	sld [smem:$0x3F9E];
	_ =	swait.ge [sflag:s4], $0x0  }
0x19: {  	s7 =	sld [smem:$0x3F9F]  }
0x1a: {  	s8 =	sadd.s32 $0xFFFFE003, lr  }
0x1b: {  	s9 =	sadd.s32 $0xFFFFFEF7, lr;
	s5 =	simm.s32 $0xFFFFFFFF;
	p2 =	slt.u32 s8, $0xFFFFF086  }
0x1c: {  	p1 =	slt.u32 s9, $0xF7A;
	s5 =	simm.s32 @!p2 $0x0  }
0x1d: {  	s5 =	simm.s32 @p1 $0x1;
	p0 =	seq.s32 s7, s2  }
0x1e: {  	s7 =	smul.u32 @!p0 $0xF7A, s2;
	p2 =	seq.s32 @!p0 s5, $0x0  }
0x1f: {  	s9 =	smul.u32 $0xF7A, s1;
	s8 =	simm.s32 @!p0 $0x1BF5;
	p2 =	por !p2, p0  }
0x20: {  	[sflag:s8] =	ssyncset.s32 @!p0 $0xFFFFF086;
	s6 =	sadd.s32 @!p0 s3, s7;
	s7 =	simm.s32 @!p0 $0x108  }
0x21: {  	s3 =	sadd.s32 s3, s9;
	s6 =	sadd.s32 @!p0 $0x88, s6;
	s7 =	simm.s32 @p2 $0x1082  }
0x22: {  	[simem:s7], [sflag:s8] =	dma.local @!p0 [hbm:s6], $0xF7A  }
0x23: {  	s9 =	sor.u32 $0xD0000000, s2;
	s6 =	simm.s32 $0x108;
	_ =	swait.ge @!p0 [sflag:s8], $0x0  }
0x24: {  	s3 =	sadd.s32 $0x88, s3;
	s6 =	simm.s32 @!p1 $0x1082;
	[sflag:s4] =	ssyncset.s32 $0xFFFFF086  }
0x25: {  	[simem:s6], [sflag:s4] =	dma.local [hbm:s3], $0xF7A  }
0x26: {  	[smem:$0x3F9F] =	sst s1;
	(tag) =	ssettag s2;
	_ =	strace s9  }
0x27: {  	s1 =	sld [smem:$0x3FAF]  }
0x28: {  	s2 =	sld [smem:$0x3FB0]  }
0x29: {  	s4 =	sld [smem:$0x3FB2]  }
0x2a: {  	p0 =	seq.s32 s5, $0x0;
	s5 =	sld [smem:$0x3FB3]  }
0x2b: {  	s6 =	sld [smem:$0x3FB4]  }
0x2c: {  	s7 =	sld [smem:$0x3FB5]  }
0x2d: {  	s3 =	simm.s32 $0x108;
	s8 =	sld [smem:$0x3FB6]  }
0x2e: {  	s3 =	simm.s32 @!p0 $0x1082;
	s9 =	sld [smem:$0x3FB7]  }
0x2f: {  	lr =	sadd.s32 s0, s3;
	s0 =	sld [smem:$0x3FAE]  }
0x30: {  	s3 =	sld [smem:$0x3FB1]  }
0x31: {  	[smem:$0x3FBA] =	sst s10  }
0x32: {  	s10 =	sld [smem:$0x3FB8];
	_ =	sdelay $0x3  }
0x33: {  	p0 =	seq.s32 s10, $0x1;
	s10 =	sld [smem:$0x3FBA];
	_ =	sdelay $0x3  }
0x34: {  	[smem:$0x3FBA] =	sst s10  }
0x35: {  	s10 =	sld [smem:$0x3FB9];
	_ =	sdelay $0x3  }
0x36: {  	p1 =	seq.s32 s10, $0x1;
	s10 =	sld [smem:$0x3FBA];
	_ =	sdelay $0x3  }
0x37: {  	[smem:$0x3FBA] =	sst s10  }
0x38: {  	s10 =	sld [smem:$0x3FBB]  }
0x39: {  	_ = 	snop;
	(pc) =	sbr.ind lr, $3  }
0x3a: {  	_ = 	snop  }
0x3b: {  	_ = 	snop  }
0x3c: {  	p2 =	seq.s32 s10, $0x1;
	s10 =	sld [smem:$0x3FBA]  }
0x3d: {  	_ =	shalt  }
0x3e: {  	_ =	shalt  }
0x3f: {  	_ =	shalt  }
0x40: {  	_ =	shalt  }
0x41: {  	_ =	shalt  }
0x42: {  	_ =	shalt  }
0x43: {  	_ =	shalt  }
0x44: {  	_ =	shalt  }
0x45: {  	_ =	shalt  }
0x46: {  	_ =	shalt  }
0x47: {  	_ =	shalt  }
0x48: {  	_ =	shalt  }
0x49: {  	_ =	shalt  }
0x4a: {  	_ =	shalt  }
0x4b: {  	_ =	shalt  }
0x4c: {  	_ =	shalt  }
0x4d: {  	_ =	shalt  }
0x4e: {  	_ =	shalt  }
0x4f: {  	_ =	shalt  }
0x50: {  	_ =	shalt  }
0x51: {  	_ =	shalt  }
0x52: {  	_ =	shalt  }
0x53: {  	_ =	shalt  }
0x54: {  	_ =	shalt  }
0x55: {  	_ =	shalt  }
0x56: {  	_ =	shalt  }
0x57: {  	_ =	shalt  }
0x58: {  	_ =	shalt  }
0x59: {  	_ =	shalt  }
0x5a: {  	_ =	shalt  }
0x5b: {  	_ =	shalt  }
0x5c: {  	_ =	shalt  }
0x5d: {  	_ =	shalt  }
0x5e: {  	_ =	shalt  }
0x5f: {  	_ =	shalt  }
0x60: {  	_ =	shalt  }
0x61: {  	_ =	shalt  }
0x62: {  	_ =	shalt  }
0x63: {  	_ =	shalt  }
0x64: {  	_ =	shalt  }
0x65: {  	_ =	shalt  }
0x66: {  	_ =	shalt  }
0x67: {  	_ =	shalt  }
0x68: {  	_ =	shalt  }
0x69: {  	_ =	shalt  }
0x6a: {  	_ =	shalt  }
0x6b: {  	_ =	shalt  }
0x6c: {  	_ =	shalt  }
0x6d: {  	_ =	shalt  }
0x6e: {  	_ =	shalt  }
0x6f: {  	_ =	shalt  }
0x70: {  	_ =	shalt  }
0x71: {  	_ =	shalt  }
0x72: {  	_ =	shalt  }
0x73: {  	_ =	shalt  }
0x74: {  	_ =	shalt  }
0x75: {  	_ =	shalt  }
0x76: {  	_ =	shalt  }
0x77: {  	_ =	shalt  }
0x78: {  	_ =	shalt  }
0x79: {  	_ =	shalt  }
0x7a: {  	_ =	shalt  }
0x7b: {  	_ =	shalt  }
0x7c: {  	_ =	shalt  }
0x7d: {  	_ =	shalt  }
0x7e: {  	_ =	shalt  }
0x7f: {  	_ =	shalt  }
0x80: {  	_ =	shalt  }
0x81: {  	_ =	shalt  }
0x82: {  	_ =	shalt  }
0x83: {  	_ =	shalt  }
0x84: {  	_ =	shalt  }
0x85: {  	_ =	shalt  }
0x86: {  	_ =	shalt  }
0x87: {  	_ =	shalt  }
.Lfunc_end0:
.L_simem_size_0:
called_computation_lowered:
.L_overlay_start_0:
0x88: {  	s2 =	sld [smem:$0x3FD9]  }
0x89: {  	s3 =	sld [smem:$0x3FFE];
	_ =	sdelay $0x1  }
0x8a: {  	s1 =	srdreg.scid  }
0x8b: {  	s0 =	sand.u32 $0x1, s1  }
0x8c: {  	s14 =	sshll.u32 s0, $0xA;
	s2 =	sadd.s32 s3, s2  }
0x8d: {  	s2 =	sadd.s32 s2, s14  }
0x8e: {  	[smem:$0x3FC6] =	sst s2  }
0x8f: {  	_ = 	snop  }
0x90: {  	s2 =	sld [smem:$0x3FD0];
	_ =	sdelay $0x2  }
0x91: {  	s15 =	simm.s32 $0xA;
	s4 =	simm.s32 $0x10  }
0x92: {  	[smem:s4], [sflag:s15] =	dma.local [hbm:s2], $0x1  }
0x93: {  	_ =	swait.eq [sflag:s15], $0x1  }
0x94: {  	[sflag:s15] =	ssyncset.done $0x0  }
0x95: {  	[sflag:s15] =	ssyncadd.s32 $0xFFFFFFFF  }
0x96: {  	s16 =	sld [smem:$0x11];
	(tm) =	ssettm $0x1  }
0x97: {  	s17 =	sld [smem:$0x3FFB];
	_ =	sdelay $0x3  }
0x98: {  	_ =	strace s17  }
0x99: {  	s3 =	sld [smem:$0x3FFC];
	_ =	sdelay $0x3  }
0x9a: {  	_ =	strace s3  }
0x9b: {  	s3 =	sld [smem:$0x3FFD];
	_ =	sdelay $0x3  }
0x9c: {  	_ =	strace s3  }
0x9d: {  	_ =	strace $0x8FFFFFFF  }
0x9e: {  	s18 =	sld [smem:$0x3FDB];
	_ =	sdelay $0x1  }
0x9f: {  	s19 =	simm.s32 $_scs_section_size  }
0xa0: {  	s5 =	simm.s32 $_size__tile_overlayer_lowered;
	s6 =	simm.s32 $_tile_overlayer_lowered  }
0xa1: {  	s22 =	simm.s32 $0x1BFF;
	s21 =	sshll.u32 s6, $0x1;
	s3 =	sadd.s32 s19, s18  }
0xa2: {  	s7 =	simm.s32 $0x0;
	s20 =	sshll.u32 s5, $0x1;
	s5 =	sadd.s32 s21, s3  }
0xa3: {  	[timem:s7], [sflag:s22] =	dma.local [hbm:s5], s20  }
0xa4: {  	_ =	swait.ge [sflag:s22], s20  }
0xa5: {  	s4 =	ssub.s32 $0x0, s20;
	[sflag:s22] =	ssyncset.done $0x0  }
0xa6: {  	[sflag:s22] =	ssyncadd.s32 s4;
	_ =	sdelay $0x1  }
0xa7: {  	s23 =	simm.s32 $0x1B8B  }
0xa8: {  	_ =	swait.ge [sflag:s23], $0x1  }
0xa9: {  	[sflag:s23] =	ssyncset.done $0x0  }
0xaa: {  	s25 =	simm.s32 $0x1B8E;
	s24 =	sld [smem:$0x3FFE];
	[sflag:s23] =	ssyncadd.s32 $0xFFFFFFFF  }
0xab: {  	s26 =	simm.s32 $execute0_lowered;
	[smem:$0x3FD2] =	sst s25  }
0xac: {  	s5 =	sshll.u32 s26, $0x1;
	_ =	strace $0x80000046;
	[dreg:$0x1] =	wrdreg $0xFFFFFFFF  }
0xad: {  	s28 =	simm.s32 $_size_execute0_lowered;
	s3 =	sadd.s32 s3, s5;
	[dreg:$0x0] =	wrdreg $0x0  }
0xae: {  	s5 =	sshll.u32 s28, $0x1;
	[dreg:$0x2] =	wrdreg s3  }
0xaf: {  	[dreg:$0x3] =	wrdreg s5  }
0xb0: {  	[dreg:$0x4] =	wrdreg $0xC0  }
0xb1: {  	_ =	task [dreg:s7], $0x5FFFF  }
0xb2: {  	[dreg:$0x1] =	wrdreg $0xFFFFFFFF  }
0xb3: {  	[dreg:$0x0] =	wrdreg $0x60  }
0xb4: {  	[dreg:$0x2] =	wrdreg s24  }
0xb5: {  	[dreg:$0x3] =	wrdreg s16  }
0xb6: {  	[dreg:$0x4] =	wrdreg $0x9  }
0xb7: {  	_ =	task.clear_ibuf [dreg:s7], $0x5FFFF;
	_ =	strace $0x90000046  }
0xb8: {  	s29 =	simm.s32 $0x9;
	_ =	strace $0x80000048  }
0xb9: {  	_ =	swait.ge [sflag:s29], $0x1  }
0xba: {  	[sflag:s29] =	ssyncadd.s32 $0xFFFFFFFF  }
0xbb: {  	_ =	strace $0x90000048  }
0xbc: {  	_ =	sfence  }
0xbd: {  	s30 =	sld [smem:$0x0];
	_ =	sdelay $0x2  }
0xbe: {  	s31 =	sshll.u32 s1, $0xD;
	s1 =	sshrl.u32 s1, $0x2  }
0xbf: {  	s3 =	sand.u32 $0x4000, s31;
	s1 =	sadd.s32 s1, s30  }
0xc0: {  	s0 =	sor.u32 s3, s0;
	s1 =	sshll.u32 s1, $0x11  }
0xc1: {  	s0 =	sor.u32 s1, s0  }
0xc2: {  	s0 =	sadd.s32 $0x8F2B, s0  }
0xc3: {  	[sflag:s0] =	ssyncadd.remote.s32 $0x1  }
0xc4: {  	_ =	sfence.sel $0xFFFF  }
0xc5: {  	[dreg:$0x0] =	wrdreg $0xFFFFFFFF;
	(pc) =	sbr.abs _section_cstart, $3  }
0xc6: {  	[dreg:$0x1] =	wrdreg $0xFFFFFFFF  }
0xc7: {  	_ =	task.clear_ibuf [dreg:s7], $0x2FFFF;
	_ =	strace $0x9FFFFFFF  }
0xc8: {  	(tm) =	ssettm $0x7FFFFFFF  }
0xc9: {  	_ =	shalt  }
tec
execute0_lowered:
.L_overlay_start_1:
0x0: {  	(tag) =	ssettag $0x1  }
0x1: {  	s0 =	rddreg [dreg:$0x0]  }
0x2: {  	s7 =	simm.s32 $0x0;
	s3 =	srdreg.scid;
	s2 =	stileid.u32  }
0x3: {  	[smem:$0x7FF] =	sst s7;
	s3 =	sand.u32 $0x1, s3;
	s4 =	sshll.u32 s2, $0x1  }
0x4: {  	s1 =	rddreg [dreg:$0x1];
	_ =	strace $0x80000047;
	s4 =	sor.u32 s3, s4  }
0x5: {  	s3 =	ssub.s32 $0x2, s3;
	s5 =	sshll.u32 s4, $0xD;
	s4 =	sshll.u32 s4, $0xA  }
0x6: {  	s6 =	sshrl.u32 s3, $0x1;
	s5 =	sadd.s32 s5, s0;
	s1 =	sadd.s32 s1, s4  }
0x7: {  	s0 =	sadd.s32 s4, s0;
	s30 =	sadd.s32 $0xC00, s5;
	[dreg:$0x4] =	wrdreg s1  }
0x8: {  	s3 =	ssub.s32 s3, s6;
	s0 =	sadd.s32 $0x40C00, s0;
	[dreg:$0x3] =	wrdreg s30  }
0x9: {  	v0 =	vlaneseq.u32;
	vm0 =	vmmov $0xff;
	s31 =	smax.u32 s3, $0x1;
	[dreg:$0x5] =	wrdreg s0  }
0xa: {  	s10 =	simm.s32 $0x0;
	v1 =	vor.u32 $0x10, v0;
	v2 =	vor.u32 $0x20, v0;
	v3 =	vor.u32 $0x30, v0;
	s1 =	simm.s32 $0x1;
	[dreg:$0x6] =	wrdreg s31  }
.LBB2_1:
0xb: {  	s0 =	rddreg [dreg:$0x3]  }
0xc: {  	[tilespmem:s7], [sflag:$0x1] =	stream.linear.gather [hbm4b:s0+s7], $0x10000, $0x38;
	[tilespmem:$0x14100] =	vst v63  }
0xd: {  	_ =	swait.ge [sflag:s1], $0x10000  }
0xe: {  	[sflag:s1] =	ssyncset.done $0x0  }
0xf: {  	s0 =	simm.s32 $0x100;
	[sflag:s1] =	ssyncadd.s32 $0xFFFF0000  }
0x10: {  	v4 =	vld [tilespmem:s0+$0xFFFFFF00]  }
0x11: {  	v5 =	vld [tilespmem:s0+$0xFFFFFF10]  }
0x12: {  	v6 =	vld [tilespmem:s0+$0xFFFFFF20]  }
0x13: {  	v7 =	vld [tilespmem:s0+$0xFFFFFF30];
	_ =	sdelay $0x1  }
0x14: {  	(xrf1) =	vsort.dscd.msk.f32 $0xffff, v4, v0  }
0x15: {  	(xrf1) =	vsort.ascd.msk.f32 $0xffff, v5, v1  }
0x16: {  	(xrf1) =	vsort.dscd.msk.f32 $0xffff, v6, v2  }
0x17: {  	(xrf1) =	vsort.ascd.msk.f32 $0xffff, v7, v3;
	_ =	sdelay $0xa  }
0x18: {  	v4, v5, _ =	vpop (xrf1)  }
0x19: {  	v6, v7, _ =	vpop (xrf1)  }
0x1a: {  	v8, v9, _ =	vpop (xrf1)  }
0x1b: {  	vm1 =	vge.f32 v4, v6;
	v10, v11, _ =	vpop (xrf1)  }
0x1c: {  	v4 =	vsel vm1, v4, v6;
	v5 =	vsel vm1, v5, v7;
	vm2 =	vge.f32 v8, v10  }
0x1d: {  	(xrf1) =	vsort.dscd.msk.f32 $0xffff, v4, v5;
	v6 =	vsel vm2, v8, v10;
	v7 =	vsel vm2, v9, v11  }
0x1e: {  	(xrf1) =	vsort.ascd.msk.f32 $0xffff, v6, v7;
	_ =	sdelay $0xc  }
0x1f: {  	v4, v5, _ =	vpop (xrf1)  }
0x20: {  	v6, v7, _ =	vpop (xrf1)  }
0x21: {  	vm1 =	vge.f32 v4, v6  }
0x22: {  	v4 =	vsel vm1, v4, v6;
	v5 =	vsel vm1, v5, v7  }
0x23: {  	(xrf1) =	vsort.dscd.msk.f32 $0xffff, v4, v5;
	_ =	sdelay $0xd  }
0x24: {  	v4, v5, _ =	vpop (xrf1)  }
0x25: {  	v6 =	vbroadcast v4, $0x0;
	_ =	sdelay $0x1  }
0x26: {  	v4 =	vsub.f32 v4, v6;
	_ =	sdelay $0x1  }
0x27: {  	v4 =	vmul.f32 $1.442695020e+00, v4;
	_ =	sdelay $0x1  }
0x28: {  	(erf) = vpow2.f32 v4;
	_ =	sdelay $0x8  }
0x29: {  	v4 =	vpop (erf)  }
0x2a: {  	v4 =	vnsel vm0, $0x0, v4  }
0x2b: {  	(xrf2) =	vadd.scan.msk.f32 $0xffff, v4;
	_ =	sdelay $0x9  }
0x2c: {  	v6, _, _ =	vpop (xrf2)  }
0x2d: {  	v6 =	vbroadcast v6, $0xF;
	_ =	sdelay $0x1  }
0x2e: {  	(erf) = vrcp.f32 v6;
	_ =	sdelay $0x7  }
0x2f: {  	s25 =	simm.s32 $0x300  }
0x30: {  	v7 =	vld [tilespmem:s25+$0xFFFFFF00];
	v6 =	vpop (erf)  }
0x31: {  	v4 =	vmul.f32 v6, v4;
	v6 =	vld [tilespmem:s25+$0xFFFFFF10]  }
0x32: {  	s23 =	simm.s32 $0x10020;
	v8 =	vld [tilespmem:s25+$0xFFFFFF20]  }
0x33: {  	[tilespmem:s23+$0xFFFFFFE0] =	vst.msk $0xff, v4;
	v4 =	vld [tilespmem:s25+$0xFFFFFF30]  }
0x34: {  	s24 =	simm.s32 $0x120A0  }
0x35: {  	s12 =	simm.s32 $0x40;
	(xrf1) =	vsort.dscd.msk.f32 $0xffff, v7, v0;
	[tilespmem:s24+$0xFFFFFFE0] =	vst.msk $0xff, v5  }
0x36: {  	s3 =	sor.u32 $0x50, s12;
	v5 =	vld [tilespmem:s0+$0xFFFFFF40];
	(xrf1) =	vsort.ascd.msk.f32 $0xffff, v6, v1  }
0x37: {  	s13 =	sor.u32 $0x60, s12;
	v7 =	vld [tilespmem:s3+$0x0];
	(xrf1) =	vsort.dscd.msk.f32 $0xffff, v8, v2  }
0x38: {  	s1 =	sor.u32 $0x70, s12;
	v6 =	vld [tilespmem:s13+$0x0];
	(xrf1) =	vsort.ascd.msk.f32 $0xffff, v4, v3  }
0x39: {  	v8 =	vld [tilespmem:s1+$0x0];
	_ =	sdelay $0x1  }
0x3a: {  	(xrf1) =	vsort.dscd.msk.f32 $0xffff, v5, v0  }
0x3b: {  	(xrf1) =	vsort.ascd.msk.f32 $0xffff, v7, v1  }
0x3c: {  	(xrf1) =	vsort.dscd.msk.f32 $0xffff, v6, v2  }
0x3d: {  	(xrf1) =	vsort.ascd.msk.f32 $0xffff, v8, v3;
	_ =	sdelay $0x4  }
0x3e: {  	v4, v5, _ =	vpop (xrf1)  }
0x3f: {  	v6, v7, _ =	vpop (xrf1)  }
0x40: {  	v8, v9, _ =	vpop (xrf1)  }
0x41: {  	vm1 =	vge.f32 v4, v6;
	v10, v11, _ =	vpop (xrf1)  }
0x42: {  	v5 =	vsel vm1, v5, v7;
	vm2 =	vge.f32 v8, v10  }
0x43: {  	v4 =	vsel vm1, v4, v6;
	v7 =	vsel vm2, v9, v11  }
0x44: {  	v12, v13, _ =	vpop (xrf1);
	v6 =	vsel vm2, v8, v10  }
0x45: {  	v14, v15, _ =	vpop (xrf1)  }
0x46: {  	(xrf1) =	vsort.dscd.msk.f32 $0xffff, v4, v5;
	v4, v5, _ =	vpop (xrf1)  }
0x47: {  	(xrf1) =	vsort.ascd.msk.f32 $0xffff, v6, v7;
	vm1 =	vge.f32 v12, v14;
	v6, v7, _ =	vpop (xrf1)  }
0x48: {  	v8 =	vsel vm1, v12, v14;
	v9 =	vsel vm1, v13, v15;
	vm1 =	vge.f32 v4, v6  }
0x49: {  	(xrf1) =	vsort.dscd.msk.f32 $0xffff, v8, v9;
	v4 =	vsel vm1, v4, v6;
	v5 =	vsel vm1, v5, v7  }
0x4a: {  	(xrf1) =	vsort.ascd.msk.f32 $0xffff, v4, v5;
	_ =	sdelay $0xa  }
0x4b: {  	v4, v5, _ =	vpop (xrf1)  }
0x4c: {  	v6, v7, _ =	vpop (xrf1)  }
0x4d: {  	vm1 =	vge.f32 v4, v6;
	v8, v9, _ =	vpop (xrf1)  }
0x4e: {  	v4 =	vsel vm1, v4, v6;
	v5 =	vsel vm1, v5, v7;
	v6, v7, _ =	vpop (xrf1)  }
0x4f: {  	(xrf1) =	vsort.dscd.msk.f32 $0xffff, v4, v5;
	vm1 =	vge.f32 v8, v6  }
0x50: {  	v4 =	vsel vm1, v8, v6;
	v5 =	vsel vm1, v9, v7  }
0x51: {  	(xrf1) =	vsort.dscd.msk.f32 $0xffff, v4, v5;
	_ =	sdelay $0xb  }
0x52: {  	v4, v5, _ =	vpop (xrf1)  }
0x53: {  	v6 =	vbroadcast v4, $0x0  }
0x54: {  	v7, v8, _ =	vpop (xrf1)  }
0x55: {  	v4 =	vsub.f32 v4, v6;
	v6 =	vbroadcast v7, $0x0;
	_ =	sdelay $0x1  }
0x56: {  	v4 =	vmul.f32 $1.442695020e+00, v4;
	v6 =	vsub.f32 v7, v6;
	_ =	sdelay $0x1  }
0x57: {  	(erf) = vpow2.f32 v4;
	v4 =	vmul.f32 $1.442695020e+00, v6;
	_ =	sdelay $0x1  }
0x58: {  	(erf) = vpow2.f32 v4;
	_ =	sdelay $0x6  }
0x59: {  	v4 =	vpop (erf)  }
0x5a: {  	v4 =	vnsel vm0, $0x0, v4  }
0x5b: {  	(xrf2) =	vadd.scan.msk.f32 $0xffff, v4;
	v6 =	vpop (erf)  }
0x5c: {  	v6 =	vnsel vm0, $0x0, v6  }
0x5d: {  	(xrf2) =	vadd.scan.msk.f32 $0xffff, v6;
	_ =	sdelay $0x7  }
0x5e: {  	v7, _, _ =	vpop (xrf2)  }
0x5f: {  	v7 =	vbroadcast v7, $0xF  }
0x60: {  	v9, _, _ =	vpop (xrf2)  }
0x61: {  	(erf) = vrcp.f32 v7;
	v9 =	vbroadcast v9, $0xF;
	_ =	sdelay $0x1  }
0x62: {  	(erf) = vrcp.f32 v9;
	_ =	sdelay $0x6  }
0x63: {  	s21 =	simm.s32 $0x500;
	v7 =	vpop (erf)  }
0x64: {  	v9 =	vld [tilespmem:s21+$0xFFFFFF00];
	v4 =	vmul.f32 v7, v4  }
0x65: {  	s11 =	simm.s32 $0x10060;
	v7 =	vld [tilespmem:s21+$0xFFFFFF10];
	v10 =	vpop (erf)  }
0x66: {  	s12 =	simm.s32 $0x120E0;
	v11 =	vld [tilespmem:s21+$0xFFFFFF20];
	[tilespmem:s11+$0xFFFFFFE0] =	vst.msk $0xff, v4;
	v6 =	vmul.f32 v10, v6  }
0x67: {  	s14 =	simm.s32 $0x240;
	v4 =	vld [tilespmem:s21+$0xFFFFFF30];
	[tilespmem:s12+$0xFFFFFFE0] =	vst.msk $0xff, v5  }
0x68: {  	s15 =	sor.u32 $0x50, s14;
	v5 =	vld [tilespmem:s25+$0xFFFFFF40];
	[tilespmem:s23+$0xFFFFFFE8] =	vst.msk $0xff, v6  }
0x69: {  	(xrf1) =	vsort.dscd.msk.f32 $0xffff, v9, v0;
	v6 =	vld [tilespmem:s15+$0x0];
	[tilespmem:s24+$0xFFFFFFE8] =	vst.msk $0xff, v8  }
0x6a: {  	(xrf1) =	vsort.ascd.msk.f32 $0xffff, v7, v1;
	v7 =	vld [tilespmem:s0+$0xFFFFFF80]  }
0x6b: {  	(xrf1) =	vsort.dscd.msk.f32 $0xffff, v11, v2;
	v8 =	vld [tilespmem:s0+$0xFFFFFF90]  }
0x6c: {  	(xrf1) =	vsort.ascd.msk.f32 $0xffff, v4, v3;
	v4 =	vld [tilespmem:s0+$0xFFFFFFA0]  }
0x6d: {  	(xrf1) =	vsort.dscd.msk.f32 $0xffff, v5, v0;
	v5 =	vld [tilespmem:s0+$0xFFFFFFB0]  }
0x6e: {  	(xrf1) =	vsort.ascd.msk.f32 $0xffff, v6, v1  }
0x6f: {  	(xrf1) =	vsort.dscd.msk.f32 $0xffff, v7, v0  }
0x70: {  	(xrf1) =	vsort.ascd.msk.f32 $0xffff, v8, v1  }
0x71: {  	(xrf1) =	vsort.dscd.msk.f32 $0xffff, v4, v2  }
0x72: {  	(xrf1) =	vsort.ascd.msk.f32 $0xffff, v5, v3  }
0x73: {  	s16 =	sor.u32 $0x60, s14  }
0x74: {  	s1 =	sor.u32 $0x70, s14;
	v4 =	vld [tilespmem:s16+$0x0]  }
0x75: {  	v7 =	vld [tilespmem:s1+$0x0];
	_ =	sdelay $0x1  }
0x76: {  	v5, v6, _ =	vpop (xrf1)  }
0x77: {  	v8, v9, _ =	vpop (xrf1)  }
0x78: {  	v10, v11, _ =	vpop (xrf1);
	(xrf1) =	vsort.dscd.msk.f32 $0xffff, v4, v2  }
0x79: {  	vm1 =	vge.f32 v5, v8;
	v12, v13, _ =	vpop (xrf1);
	(xrf1) =	vsort.ascd.msk.f32 $0xffff, v7, v3  }
0x7a: {  	v6 =	vsel vm1, v6, v9;
	vm2 =	vge.f32 v10, v12;
	v4, v14, _ =	vpop (xrf1)  }
0x7b: {  	v5 =	vsel vm1, v5, v8;
	v11 =	vsel vm2, v11, v13;
	v7, v15, _ =	vpop (xrf1)  }
0x7c: {  	v10 =	vsel vm2, v10, v12;
	v16, v17, _ =	vpop (xrf1)  }
0x7d: {  	v8, v9, _ =	vpop (xrf1)  }
0x7e: {  	(xrf1) =	vsort.dscd.msk.f32 $0xffff, v5, v6;
	v5, v6, _ =	vpop (xrf1)  }
0x7f: {  	(xrf1) =	vsort.ascd.msk.f32 $0xffff, v10, v11;
	vm1 =	vge.f32 v16, v8;
	v10, v11, _ =	vpop (xrf1)  }
0x80: {  	v8 =	vsel vm1, v16, v8;
	v9 =	vsel vm1, v17, v9;
	vm1 =	vge.f32 v5, v10  }
0x81: {  	(xrf1) =	vsort.dscd.msk.f32 $0xffff, v8, v9;
	v5 =	vsel vm1, v5, v10;
	v6 =	vsel vm1, v6, v11  }
0x82: {  	(xrf1) =	vsort.ascd.msk.f32 $0xffff, v5, v6;
	_ =	sdelay $0x3  }
0x83: {  	v5, v6, _ =	vpop (xrf1)  }
0x84: {  	vm1 =	vge.f32 v4, v7;
	v8, v9, _ =	vpop (xrf1)  }
0x85: {  	v4 =	vsel vm1, v4, v7;
	v7 =	vsel vm1, v14, v15;
	vm1 =	vge.f32 v5, v8  }
0x86: {  	(xrf1) =	vsort.dscd.msk.f32 $0xffff, v4, v7;
	v4 =	vsel vm1, v5, v8;
	v5 =	vsel vm1, v6, v9;
	_ =	sdelay $0x2  }
0x87: {  	(xrf1) =	vsort.ascd.msk.f32 $0xffff, v4, v5  }
0x88: {  	v4, v5, _ =	vpop (xrf1)  }
0x89: {  	v6, v7, _ =	vpop (xrf1)  }
0x8a: {  	v8, v9, _ =	vpop (xrf1)  }
0x8b: {  	vm1 =	vge.f32 v4, v6;
	v10, v11, _ =	vpop (xrf1)  }
0x8c: {  	v4 =	vsel vm1, v4, v6;
	v5 =	vsel vm1, v5, v7;
	vm1 =	vge.f32 v8, v10  }
0x8d: {  	(xrf1) =	vsort.dscd.msk.f32 $0xffff, v4, v5;
	v4 =	vsel vm1, v8, v10;
	v5 =	vsel vm1, v9, v11  }
0x8e: {  	(xrf1) =	vsort.dscd.msk.f32 $0xffff, v4, v5;
	_ =	sdelay $0x5  }
0x8f: {  	v4, v5, _ =	vpop (xrf1)  }
0x90: {  	v6, v7, _ =	vpop (xrf1)  }
0x91: {  	vm1 =	vge.f32 v4, v6  }
0x92: {  	v4 =	vsel vm1, v4, v6;
	v5 =	vsel vm1, v5, v7  }
0x93: {  	(xrf1) =	vsort.dscd.msk.f32 $0xffff, v4, v5;
	_ =	sdelay $0x2  }
0x94: {  	v4, v5, _ =	vpop (xrf1)  }
0x95: {  	v6 =	vbroadcast v4, $0x0;
	v7, v8, _ =	vpop (xrf1)  }
0x96: {  	v9 =	vbroadcast v7, $0x0  }
0x97: {  	v4 =	vsub.f32 v4, v6  }
0x98: {  	v6 =	vsub.f32 v7, v9  }
0x99: {  	v4 =	vmul.f32 $1.442695020e+00, v4  }
0x9a: {  	v6 =	vmul.f32 $1.442695020e+00, v6  }
0x9b: {  	(erf) = vpow2.f32 v4  }
0x9c: {  	(erf) = vpow2.f32 v6;
	_ =	sdelay $0x2  }
0x9d: {  	v4, v6, _ =	vpop (xrf1)  }
0x9e: {  	v7 =	vbroadcast v4, $0x0;
	_ =	sdelay $0x1  }
0x9f: {  	v4 =	vsub.f32 v4, v7;
	_ =	sdelay $0x1  }
0xa0: {  	v4 =	vmul.f32 $1.442695020e+00, v4;
	v7 =	vpop (erf)  }
0xa1: {  	v7 =	vnsel vm0, $0x0, v7;
	v9 =	vpop (erf)  }
0xa2: {  	(erf) = vpow2.f32 v4;
	(xrf2) =	vadd.scan.msk.f32 $0xffff, v7;
	v4 =	vnsel vm0, $0x0, v9  }
0xa3: {  	(xrf2) =	vadd.scan.msk.f32 $0xffff, v4;
	_ =	sdelay $0x7  }
0xa4: {  	v9 =	vpop (erf)  }
0xa5: {  	v10, _, _ =	vpop (xrf2)  }
0xa6: {  	v9 =	vnsel vm0, $0x0, v9;
	v11, _, _ =	vpop (xrf2)  }
0xa7: {  	(xrf2) =	vadd.scan.msk.f32 $0xffff, v9;
	v11 =	vbroadcast v11, $0xF;
	_ =	sdelay $0x1  }
0xa8: {  	(erf) = vrcp.f32 v11;
	_ =	sdelay $0x6  }
0xa9: {  	v10 =	vbroadcast v10, $0xF  }
0xaa: {  	v11, _, _ =	vpop (xrf2)  }
0xab: {  	(erf) = vrcp.f32 v10;
	v12 =	vpop (erf)  }
0xac: {  	v11 =	vbroadcast v11, $0xF;
	v4 =	vmul.f32 v12, v4  }
0xad: {  	s20 =	simm.s32 $0x700  }
0xae: {  	v10 =	vld [tilespmem:s20+$0xFFFFFF00];
	(erf) = vrcp.f32 v11;
	[tilespmem:s23+$0xFFFFFFF0] =	vst.msk $0xff, v4  }
0xaf: {  	s17 =	simm.s32 $0xC0;
	v4 =	vld [tilespmem:s20+$0xFFFFFF10];
	[tilespmem:s24+$0xFFFFFFF0] =	vst.msk $0xff, v8  }
0xb0: {  	s18 =	sor.u32 $0x50, s17;
	v8 =	vld [tilespmem:s0+$0xFFFFFFC0]  }
0xb1: {  	s19 =	sor.u32 $0x60, s17;
	v11 =	vld [tilespmem:s18+$0x0]  }
0xb2: {  	s1 =	sor.u32 $0x70, s17;
	v12 =	vld [tilespmem:s19+$0x0]  }
0xb3: {  	(xrf1) =	vsort.dscd.msk.f32 $0xffff, v10, v0;
	v10 =	vld [tilespmem:s1+$0x0]  }
0xb4: {  	(xrf1) =	vsort.ascd.msk.f32 $0xffff, v4, v1  }
0xb5: {  	v4 =	vpop (erf);
	(xrf1) =	vsort.dscd.msk.f32 $0xffff, v8, v0  }
0xb6: {  	v4 =	vmul.f32 v4, v7;
	(xrf1) =	vsort.ascd.msk.f32 $0xffff, v11, v1  }
0xb7: {  	s13 =	simm.s32 $0x100A0;
	v7 =	vpop (erf);
	(xrf1) =	vsort.dscd.msk.f32 $0xffff, v12, v2  }
0xb8: {  	s14 =	simm.s32 $0x12120;
	v8 =	vld [tilespmem:s20+$0xFFFFFF20];
	v7 =	vmul.f32 v7, v9;
	[tilespmem:s13+$0xFFFFFFE0] =	vst.msk $0xff, v4;
	(xrf1) =	vsort.ascd.msk.f32 $0xffff, v10, v3  }
0xb9: {  	s22 =	simm.s32 $0x440;
	v4 =	vld [tilespmem:s20+$0xFFFFFF30];
	[tilespmem:s14+$0xFFFFFFE0] =	vst.msk $0xff, v5  }
0xba: {  	s26 =	sor.u32 $0x50, s22;
	v5 =	vld [tilespmem:s21+$0xFFFFFF40];
	[tilespmem:s11+$0xFFFFFFE8] =	vst.msk $0xff, v7  }
0xbb: {  	v7 =	vld [tilespmem:s26+$0x0];
	[tilespmem:s12+$0xFFFFFFE8] =	vst.msk $0xff, v6  }
0xbc: {  	v6 =	vld [tilespmem:s25+$0xFFFFFF80]  }
0xbd: {  	(xrf1) =	vsort.dscd.msk.f32 $0xffff, v8, v2;
	v8 =	vld [tilespmem:s25+$0xFFFFFF90]  }
0xbe: {  	(xrf1) =	vsort.ascd.msk.f32 $0xffff, v4, v3;
	v4 =	vld [tilespmem:s25+$0xFFFFFFA0]  }
0xbf: {  	s2 =	sor.u32 $0x60, s22;
	(xrf1) =	vsort.dscd.msk.f32 $0xffff, v5, v0;
	v5 =	vld [tilespmem:s25+$0xFFFFFFB0]  }
0xc0: {  	s1 =	sor.u32 $0x70, s22;
	(xrf1) =	vsort.ascd.msk.f32 $0xffff, v7, v1;
	v7 =	vld [tilespmem:s2+$0x0]  }
0xc1: {  	v9, v10, _ =	vpop (xrf1);
	(xrf1) =	vsort.dscd.msk.f32 $0xffff, v6, v0;
	v6 =	vld [tilespmem:s1+$0x0]  }
0xc2: {  	(xrf1) =	vsort.ascd.msk.f32 $0xffff, v8, v1;
	v11, v12, _ =	vpop (xrf1)  }
0xc3: {  	(xrf1) =	vsort.dscd.msk.f32 $0xffff, v4, v2;
	v8, v13, _ =	vpop (xrf1)  }
0xc4: {  	(xrf1) =	vsort.ascd.msk.f32 $0xffff, v5, v3;
	v4, v14, _ =	vpop (xrf1)  }
0xc5: {  	(xrf1) =	vsort.dscd.msk.f32 $0xffff, v7, v2;
	v5, v15, _ =	vpop (xrf1)  }
0xc6: {  	(xrf1) =	vsort.ascd.msk.f32 $0xffff, v6, v3;
	vm1 =	vge.f32 v8, v4;
	v7, v16, _ =	vpop (xrf1)  }
0xc7: {  	v4 =	vsel vm1, v8, v4;
	v6 =	vsel vm1, v13, v14;
	vm1 =	vge.f32 v5, v7  }
0xc8: {  	(xrf1) =	vsort.dscd.msk.f32 $0xffff, v4, v6;
	v4 =	vsel vm1, v5, v7;
	v5 =	vsel vm1, v15, v16;
	_ =	sdelay $0x3  }
0xc9: {  	(xrf1) =	vsort.ascd.msk.f32 $0xffff, v4, v5;
	v4, v5, _ =	vpop (xrf1)  }
0xca: {  	vm1 =	vge.f32 v9, v11;
	v6, v7, _ =	vpop (xrf1)  }
0xcb: {  	v9 =	vsel vm1, v9, v11;
	v8, v13, _ =	vpop (xrf1)  }
0xcc: {  	v10 =	vsel vm1, v10, v12;
	v14, v15, _ =	vpop (xrf1)  }
0xcd: {  	vm2 =	vge.f32 v4, v6;
	v16, v17, _ =	vpop (xrf1)  }
0xce: {  	v4 =	vsel vm2, v4, v6;
	v6, v11, _ =	vpop (xrf1)  }
0xcf: {  	(xrf1) =	vsort.dscd.msk.f32 $0xffff, v9, v10;
	v5 =	vsel vm2, v5, v7;
	vm1 =	vge.f32 v16, v6;
	v7, v9, _ =	vpop (xrf1)  }
0xd0: {  	(xrf1) =	vsort.ascd.msk.f32 $0xffff, v4, v5;
	v4 =	vsel vm1, v16, v6;
	v6, v10, _ =	vpop (xrf1)  }
0xd1: {  	v5 =	vsel vm1, v17, v11;
	vm1 =	vge.f32 v7, v6  }
0xd2: {  	vm2 =	vge.f32 v8, v14;
	v6 =	vsel vm1, v7, v6;
	v7 =	vsel vm1, v9, v10  }
0xd3: {  	(xrf1) =	vsort.dscd.msk.f32 $0xffff, v4, v5;
	v9 =	vsel vm2, v13, v15  }
0xd4: {  	v8 =	vsel vm2, v8, v14;
	v11, v12, _ =	vpop (xrf1);
	(xrf1) =	vsort.ascd.msk.f32 $0xffff, v6, v7  }
0xd5: {  	v4, v5, _ =	vpop (xrf1)  }
0xd6: {  	v6, v7, _ =	vpop (xrf1)  }
0xd7: {  	vm1 =	vge.f32 v11, v4;
	(xrf1) =	vsort.dscd.msk.f32 $0xffff, v8, v9;
	v8, v9, _ =	vpop (xrf1)  }
0xd8: {  	v4 =	vsel vm1, v11, v4;
	v5 =	vsel vm1, v12, v5;
	vm1 =	vge.f32 v6, v8  }
0xd9: {  	(xrf1) =	vsort.ascd.msk.f32 $0xffff, v4, v5;
	v4 =	vsel vm1, v6, v8;
	v5 =	vsel vm1, v7, v9  }
0xda: {  	(xrf1) =	vsort.dscd.msk.f32 $0xffff, v4, v5;
	_ =	sdelay $0x4  }
0xdb: {  	v4, v5, _ =	vpop (xrf1)  }
0xdc: {  	v6, v7, _ =	vpop (xrf1)  }
0xdd: {  	vm1 =	vge.f32 v4, v6;
	v8, v9, _ =	vpop (xrf1)  }
0xde: {  	v4 =	vsel vm1, v4, v6;
	v5 =	vsel vm1, v5, v7;
	v6, v7, _ =	vpop (xrf1)  }
0xdf: {  	(xrf1) =	vsort.dscd.msk.f32 $0xffff, v4, v5;
	vm1 =	vge.f32 v8, v6  }
0xe0: {  	v6 =	vsel vm1, v8, v6;
	v7 =	vsel vm1, v9, v7  }
0xe1: {  	(xrf1) =	vsort.dscd.msk.f32 $0xffff, v6, v7  }
0xe2: {  	v4, v5, _ =	vpop (xrf1)  }
0xe3: {  	v8, v9, _ =	vpop (xrf1)  }
0xe4: {  	v6, v7, _ =	vpop (xrf1)  }
0xe5: {  	v10 =	vbroadcast v6, $0x0;
	_ =	sdelay $0x1  }
0xe6: {  	v6 =	vsub.f32 v6, v10  }
0xe7: {  	vm1 =	vge.f32 v4, v8  }
0xe8: {  	v4 =	vsel vm1, v4, v8;
	v5 =	vsel vm1, v5, v9;
	v6 =	vmul.f32 $1.442695020e+00, v6  }
0xe9: {  	(xrf1) =	vsort.dscd.msk.f32 $0xffff, v4, v5  }
0xea: {  	(erf) = vpow2.f32 v6;
	_ =	sdelay $0x1  }
0xeb: {  	v4, v5, _ =	vpop (xrf1)  }
0xec: {  	v6 =	vbroadcast v4, $0x0  }
0xed: {  	v8, v9, _ =	vpop (xrf1)  }
0xee: {  	v4 =	vsub.f32 v4, v6;
	v6 =	vbroadcast v8, $0x0;
	_ =	sdelay $0x1  }
0xef: {  	v4 =	vmul.f32 $1.442695020e+00, v4;
	v6 =	vsub.f32 v8, v6;
	_ =	sdelay $0x1  }
0xf0: {  	(erf) = vpow2.f32 v4;
	v4 =	vmul.f32 $1.442695020e+00, v6;
	v8 =	vpop (erf)  }
0xf1: {  	v8 =	vnsel vm0, $0x0, v8  }
0xf2: {  	(xrf2) =	vadd.scan.msk.f32 $0xffff, v8;
	_ =	sdelay $0x1  }
0xf3: {  	(erf) = vpow2.f32 v4;
	v4, v6, _ =	vpop (xrf1)  }
0xf4: {  	v10 =	vbroadcast v4, $0x0;
	_ =	sdelay $0x1  }
0xf5: {  	v4 =	vsub.f32 v4, v10;
	_ =	sdelay $0x1  }
0xf6: {  	v4 =	vmul.f32 $1.442695020e+00, v4;
	_ =	sdelay $0x1  }
0xf7: {  	v10 =	vpop (erf)  }
0xf8: {  	v10 =	vnsel vm0, $0x0, v10;
	v11, _, _ =	vpop (xrf2)  }
0xf9: {  	(erf) = vpow2.f32 v4;
	(xrf2) =	vadd.scan.msk.f32 $0xffff, v10;
	v4 =	vpop (erf);
	v11 =	vbroadcast v11, $0xF  }
0xfa: {  	v4 =	vnsel vm0, $0x0, v4  }
0xfb: {  	(xrf2) =	vadd.scan.msk.f32 $0xffff, v4;
	(erf) = vrcp.f32 v11;
	_ =	sdelay $0x6  }
0xfc: {  	v11 =	vpop (erf)  }
0xfd: {  	v12, _, _ =	vpop (xrf2)  }
0xfe: {  	v11 =	vnsel vm0, $0x0, v11;
	v13 =	vpop (erf)  }
0xff: {  	(xrf2) =	vadd.scan.msk.f32 $0xffff, v11;
	v14, _, _ =	vpop (xrf2);
	v8 =	vmul.f32 v13, v8  }
0x100: {  	v13 =	vbroadcast v14, $0xF  }
0x101: {  	[tilespmem:s23+$0xFFFFFFF8] =	vst.msk $0xff, v8  }
0x102: {  	(erf) = vrcp.f32 v13;
	[tilespmem:s24+$0xFFFFFFF8] =	vst.msk $0xff, v7  }
0x103: {  	v7 =	vld [tilespmem:s0+$0x0];
	_ =	sdelay $0x1  }
0x104: {  	v8 =	vld [tilespmem:s0+$0x10]  }
0x105: {  	v13 =	vld [tilespmem:s0+$0x20]  }
0x106: {  	v14 =	vld [tilespmem:s0+$0x30]  }
0x107: {  	(xrf1) =	vsort.dscd.msk.f32 $0xffff, v7, v0  }
0x108: {  	v12 =	vbroadcast v12, $0xF;
	v7, _, _ =	vpop (xrf2)  }
0x109: {  	v7 =	vbroadcast v7, $0xF;
	(xrf1) =	vsort.ascd.msk.f32 $0xffff, v8, v1  }
0x10a: {  	(erf) = vrcp.f32 v12;
	v8 =	vpop (erf);
	(xrf1) =	vsort.dscd.msk.f32 $0xffff, v13, v2  }
0x10b: {  	(erf) = vrcp.f32 v7;
	(xrf1) =	vsort.ascd.msk.f32 $0xffff, v14, v3;
	v4 =	vmul.f32 v8, v4  }
0x10c: {  	s19 =	simm.s32 $0x900  }
0x10d: {  	v7 =	vld [tilespmem:s19+$0xFFFFFF00];
	[tilespmem:s11+$0xFFFFFFF0] =	vst.msk $0xff, v4  }
0x10e: {  	s4 =	simm.s32 $0x2C0;
	v4 =	vld [tilespmem:s19+$0xFFFFFF10];
	[tilespmem:s12+$0xFFFFFFF0] =	vst.msk $0xff, v9  }
0x10f: {  	s5 =	sor.u32 $0x50, s4;
	v8 =	vld [tilespmem:s25+$0xFFFFFFC0]  }
0x110: {  	s6 =	sor.u32 $0x60, s4;
	v9 =	vld [tilespmem:s5+$0x0]  }
0x111: {  	v12 =	vld [tilespmem:s6+$0x0]  }
0x112: {  	(xrf1) =	vsort.dscd.msk.f32 $0xffff, v7, v0  }
0x113: {  	s1 =	sor.u32 $0x70, s4;
	v7 =	vpop (erf);
	(xrf1) =	vsort.ascd.msk.f32 $0xffff, v4, v1  }
0x114: {  	v4 =	vld [tilespmem:s1+$0x0];
	v13 =	vpop (erf);
	(xrf1) =	vsort.dscd.msk.f32 $0xffff, v8, v0  }
0x115: {  	(xrf1) =	vsort.ascd.msk.f32 $0xffff, v9, v1;
	v8, v9, _ =	vpop (xrf1)  }
0x116: {  	(xrf1) =	vsort.dscd.msk.f32 $0xffff, v12, v2  }
0x117: {  	v12, v14, _ =	vpop (xrf1)  }
0x118: {  	v7 =	vmul.f32 v7, v10;
	v15, v16, _ =	vpop (xrf1)  }
0x119: {  	(xrf1) =	vsort.ascd.msk.f32 $0xffff, v4, v3;
	v4 =	vmul.f32 v13, v11;
	vm1 =	vge.f32 v8, v12;
	v10, v11, _ =	vpop (xrf1)  }
0x11a: {  	s15 =	simm.s32 $0x100E0;
	v8 =	vsel vm1, v8, v12;
	v9 =	vsel vm1, v9, v14;
	vm1 =	vge.f32 v15, v10  }
0x11b: {  	s16 =	simm.s32 $0x12160;
	[tilespmem:s15+$0xFFFFFFE0] =	vst.msk $0xff, v7;
	v13 =	vld [tilespmem:s19+$0xFFFFFF20];
	(xrf1) =	vsort.dscd.msk.f32 $0xffff, v8, v9;
	v7 =	vsel vm1, v15, v10;
	v10 =	vsel vm1, v16, v11  }
0x11c: {  	s7 =	simm.s32 $0x640;
	[tilespmem:s16+$0xFFFFFFE0] =	vst.msk $0xff, v5;
	v8 =	vld [tilespmem:s19+$0xFFFFFF30];
	(xrf1) =	vsort.ascd.msk.f32 $0xffff, v7, v10  }
0x11d: {  	s8 =	sor.u32 $0x50, s7;
	v5 =	vld [tilespmem:s20+$0xFFFFFF40];
	[tilespmem:s13+$0xFFFFFFE8] =	vst.msk $0xff, v4  }
0x11e: {  	v4 =	vld [tilespmem:s8+$0x0];
	[tilespmem:s14+$0xFFFFFFE8] =	vst.msk $0xff, v6  }
0x11f: {  	v6 =	vld [tilespmem:s21+$0xFFFFFF80]  }
0x120: {  	v7 =	vld [tilespmem:s21+$0xFFFFFF90];
	(xrf1) =	vsort.dscd.msk.f32 $0xffff, v13, v2  }
0x121: {  	(xrf1) =	vsort.ascd.msk.f32 $0xffff, v8, v3;
	v8 =	vld [tilespmem:s21+$0xFFFFFFA0]  }
0x122: {  	s9 =	sor.u32 $0x60, s7;
	(xrf1) =	vsort.dscd.msk.f32 $0xffff, v5, v0;
	v5 =	vld [tilespmem:s21+$0xFFFFFFB0]  }
0x123: {  	s1 =	sor.u32 $0x70, s7;
	v9, v10, _ =	vpop (xrf1);
	(xrf1) =	vsort.ascd.msk.f32 $0xffff, v4, v1;
	v4 =	vld [tilespmem:s9+$0x0]  }
0x124: {  	v11, v12, _ =	vpop (xrf1);
	(xrf1) =	vsort.dscd.msk.f32 $0xffff, v6, v0;
	v6 =	vld [tilespmem:s1+$0x0]  }
0x125: {  	(xrf1) =	vsort.ascd.msk.f32 $0xffff, v7, v1;
	v7, v13, _ =	vpop (xrf1)  }
0x126: {  	(xrf1) =	vsort.dscd.msk.f32 $0xffff, v8, v2;
	v8, v14, _ =	vpop (xrf1)  }
0x127: {  	(xrf1) =	vsort.ascd.msk.f32 $0xffff, v5, v3;
	v5, v15, _ =	vpop (xrf1)  }
0x128: {  	vm1 =	vge.f32 v7, v8;
	(xrf1) =	vsort.dscd.msk.f32 $0xffff, v4, v2;
	v4, v16, _ =	vpop (xrf1)  }
0x129: {  	v7 =	vsel vm1, v7, v8;
	v8 =	vsel vm1, v13, v14;
	(xrf1) =	vsort.ascd.msk.f32 $0xffff, v6, v3;
	v6, v17, _ =	vpop (xrf1)  }
0x12a: {  	vm1 =	vge.f32 v5, v4;
	(xrf1) =	vsort.dscd.msk.f32 $0xffff, v7, v8;
	v13, v14, _ =	vpop (xrf1)  }
0x12b: {  	v4 =	vsel vm1, v5, v4;
	v5 =	vsel vm1, v15, v16;
	vm1 =	vge.f32 v6, v13  }
0x12c: {  	(xrf1) =	vsort.ascd.msk.f32 $0xffff, v4, v5;
	v5 =	vsel vm1, v17, v14  }
0x12d: {  	v4 =	vsel vm1, v6, v13;
	_ =	sdelay $0x1  }
0x12e: {  	v6, v7, _ =	vpop (xrf1)  }
0x12f: {  	(xrf1) =	vsort.dscd.msk.f32 $0xffff, v4, v5;
	v4, v5, _ =	vpop (xrf1)  }
0x130: {  	v8, v13, _ =	vpop (xrf1);
	vm2 =	vge.f32 v6, v4  }
0x131: {  	vm1 =	vge.f32 v9, v11;
	v14, v15, _ =	vpop (xrf1);
	v5 =	vsel vm2, v7, v5  }
0x132: {  	v10 =	vsel vm1, v10, v12;
	v4 =	vsel vm2, v6, v4;
	v16, v17, _ =	vpop (xrf1)  }
0x133: {  	v9 =	vsel vm1, v9, v11;
	v6, v7, _ =	vpop (xrf1)  }
0x134: {  	(xrf1) =	vsort.dscd.msk.f32 $0xffff, v9, v10;
	vm1 =	vge.f32 v16, v6  }
0x135: {  	(xrf1) =	vsort.ascd.msk.f32 $0xffff, v4, v5;
	v4, v5, _ =	vpop (xrf1);
	v7 =	vsel vm1, v17, v7  }
0x136: {  	v6 =	vsel vm1, v16, v6;
	v9, v10, _ =	vpop (xrf1)  }
0x137: {  	vm1 =	vge.f32 v4, v9  }
0x138: {  	(xrf1) =	vsort.dscd.msk.f32 $0xffff, v6, v7;
	v11, v12, _ =	vpop (xrf1);
	v4 =	vsel vm1, v4, v9;
	v5 =	vsel vm1, v5, v10  }
0x139: {  	vm1 =	vge.f32 v8, v14;
	v6, v7, _ =	vpop (xrf1);
	(xrf1) =	vsort.ascd.msk.f32 $0xffff, v4, v5  }
0x13a: {  	v4 =	vsel vm1, v8, v14;
	v5 =	vsel vm1, v13, v15;
	vm1 =	vge.f32 v11, v6  }
0x13b: {  	(xrf1) =	vsort.dscd.msk.f32 $0xffff, v4, v5;
	v5 =	vsel vm1, v12, v7  }
0x13c: {  	v8, v9, _ =	vpop (xrf1);
	v4 =	vsel vm1, v11, v6  }
0x13d: {  	v6, v7, _ =	vpop (xrf1)  }
0x13e: {  	vm1 =	vge.f32 v8, v6  }
0x13f: {  	(xrf1) =	vsort.ascd.msk.f32 $0xffff, v4, v5;
	v6 =	vsel vm1, v8, v6;
	v7 =	vsel vm1, v9, v7;
	v4, v5, _ =	vpop (xrf1)  }
0x140: {  	(xrf1) =	vsort.dscd.msk.f32 $0xffff, v6, v7;
	v6 =	vbroadcast v4, $0x0;
	_ =	sdelay $0x2  }
0x141: {  	v4 =	vsub.f32 v4, v6  }
0x142: {  	v6, v7, _ =	vpop (xrf1)  }
0x143: {  	v4 =	vmul.f32 $1.442695020e+00, v4;
	v8, v9, _ =	vpop (xrf1)  }
0x144: {  	vm1 =	vge.f32 v6, v8  }
0x145: {  	(erf) = vpow2.f32 v4;
	v4 =	vsel vm1, v6, v8;
	v6 =	vsel vm1, v7, v9;
	_ =	sdelay $0x2  }
0x146: {  	v7, v8, _ =	vpop (xrf1);
	(xrf1) =	vsort.dscd.msk.f32 $0xffff, v4, v6  }
0x147: {  	v4, v6, _ =	vpop (xrf1)  }
0x148: {  	vm1 =	vge.f32 v7, v4;
	v9, v10, _ =	vpop (xrf1)  }
0x149: {  	v4 =	vsel vm1, v7, v4;
	v6 =	vsel vm1, v8, v6;
	v7, v8, _ =	vpop (xrf1)  }
0x14a: {  	vm1 =	vge.f32 v9, v7  }
0x14b: {  	(xrf1) =	vsort.dscd.msk.f32 $0xffff, v4, v6;
	v4 =	vsel vm1, v9, v7;
	v6 =	vsel vm1, v10, v8;
	v7, v8, _ =	vpop (xrf1)  }
0x14c: {  	(xrf1) =	vsort.dscd.msk.f32 $0xffff, v4, v6;
	v4 =	vbroadcast v7, $0x0;
	_ =	sdelay $0x1  }
0x14d: {  	v4 =	vsub.f32 v7, v4  }
0x14e: {  	v6 =	vpop (erf)  }
0x14f: {  	v6 =	vnsel vm0, $0x0, v6;
	v4 =	vmul.f32 $1.442695020e+00, v4  }
0x150: {  	(xrf2) =	vadd.scan.msk.f32 $0xffff, v6;
	_ =	sdelay $0x2  }
0x151: {  	(erf) = vpow2.f32 v4;
	v4, v7, _ =	vpop (xrf1)  }
0x152: {  	v9 =	vbroadcast v4, $0x0;
	_ =	sdelay $0x1  }
0x153: {  	v4 =	vsub.f32 v4, v9;
	_ =	sdelay $0x1  }
0x154: {  	v9, v10, _ =	vpop (xrf1);
	v4 =	vmul.f32 $1.442695020e+00, v4  }
0x155: {  	v12 =	vbroadcast v9, $0x0  }
0x156: {  	v11, _, _ =	vpop (xrf2)  }
0x157: {  	v11 =	vbroadcast v11, $0xF  }
0x158: {  	(erf) = vpow2.f32 v4;
	v4, v13, _ =	vpop (xrf1)  }
0x159: {  	v9 =	vsub.f32 v9, v12;
	(erf) = vrcp.f32 v11;
	v12 =	vpop (erf);
	v11 =	vbroadcast v4, $0x0  }
0x15a: {  	v12 =	vnsel vm0, $0x0, v12  }
0x15b: {  	(xrf2) =	vadd.scan.msk.f32 $0xffff, v12;
	v4 =	vsub.f32 v4, v11  }
0x15c: {  	v9 =	vmul.f32 $1.442695020e+00, v9  }
0x15d: {  	v4 =	vmul.f32 $1.442695020e+00, v4  }
0x15e: {  	(erf) = vpow2.f32 v9;
	_ =	sdelay $0x2  }
0x15f: {  	(erf) = vpow2.f32 v4;
	v4 =	vpop (erf)  }
0x160: {  	v9 =	vpop (erf)  }
0x161: {  	v6 =	vmul.f32 v9, v6;
	_ =	sdelay $0x1  }
0x162: {  	v9, _, _ =	vpop (xrf2);
	[tilespmem:s23+$0x0] =	vst.msk $0xff, v6  }
0x163: {  	[tilespmem:s24+$0x0] =	vst.msk $0xff, v5;
	v5 =	vbroadcast v9, $0xF  }
0x164: {  	s17 =	simm.s32 $0x140;
	v4 =	vnsel vm0, $0x0, v4;
	v6 =	vpop (erf)  }
0x165: {  	s18 =	sor.u32 $0x50, s17;
	(xrf2) =	vadd.scan.msk.f32 $0xffff, v4;
	v9 =	vld [tilespmem:s0+$0x40];
	v6 =	vnsel vm0, $0x0, v6;
	(erf) = vrcp.f32 v5  }
0x166: {  	s22 =	sor.u32 $0x60, s17;
	v11 =	vld [tilespmem:s18+$0x0];
	(xrf2) =	vadd.scan.msk.f32 $0xffff, v6  }
0x167: {  	s1 =	sor.u32 $0x70, s17;
	v14 =	vld [tilespmem:s22+$0x0];
	v5 =	vpop (erf)  }
0x168: {  	v15 =	vld [tilespmem:s1+$0x0];
	v5 =	vnsel vm0, $0x0, v5  }
0x169: {  	(xrf2) =	vadd.scan.msk.f32 $0xffff, v5  }
0x16a: {  	(xrf1) =	vsort.dscd.msk.f32 $0xffff, v9, v0  }
0x16b: {  	(xrf1) =	vsort.ascd.msk.f32 $0xffff, v11, v1  }
0x16c: {  	(xrf1) =	vsort.dscd.msk.f32 $0xffff, v14, v2  }
0x16d: {  	(xrf1) =	vsort.ascd.msk.f32 $0xffff, v15, v3  }
0x16e: {  	v11 =	vpop (erf)  }
0x16f: {  	v9, _, _ =	vpop (xrf2);
	v11 =	vmul.f32 v11, v12  }
0x170: {  	v14, _, _ =	vpop (xrf2)  }
0x171: {  	v12 =	vbroadcast v14, $0xF;
	[tilespmem:s11+$0xFFFFFFF8] =	vst.msk $0xff, v11  }
0x172: {  	[tilespmem:s12+$0xFFFFFFF8] =	vst.msk $0xff, v8  }
0x173: {  	(erf) = vrcp.f32 v12;
	v8 =	vld [tilespmem:s25+$0x0]  }
0x174: {  	v11 =	vld [tilespmem:s25+$0x10]  }
0x175: {  	v12 =	vld [tilespmem:s25+$0x20]  }
0x176: {  	v15 =	vld [tilespmem:s25+$0x30]  }
0x177: {  	v14, _, _ =	vpop (xrf2)  }
0x178: {  	v9 =	vbroadcast v9, $0xF;
	v16, v17, _ =	vpop (xrf1);
	(xrf1) =	vsort.dscd.msk.f32 $0xffff, v8, v0  }
0x179: {  	v18, v19, _ =	vpop (xrf1);
	(xrf1) =	vsort.ascd.msk.f32 $0xffff, v11, v1  }
0x17a: {  	v14 =	vbroadcast v14, $0xF;
	v8, v20, _ =	vpop (xrf1);
	(xrf1) =	vsort.dscd.msk.f32 $0xffff, v12, v2  }
0x17b: {  	(erf) = vrcp.f32 v9;
	vm1 =	vge.f32 v16, v18;
	v11, v21, _ =	vpop (xrf1);
	(xrf1) =	vsort.ascd.msk.f32 $0xffff, v15, v3  }
0x17c: {  	v12 =	vsel vm1, v16, v18;
	v9 =	vpop (erf);
	(erf) = vrcp.f32 v14  }
0x17d: {  	v14 =	vsel vm1, v17, v19;
	vm1 =	vge.f32 v8, v11;
	v6 =	vmul.f32 v9, v6  }
0x17e: {  	s22 =	simm.s32 $0xB00;
	(xrf1) =	vsort.dscd.msk.f32 $0xffff, v12, v14;
	v8 =	vsel vm1, v8, v11;
	v9 =	vsel vm1, v20, v21  }
0x17f: {  	(xrf1) =	vsort.ascd.msk.f32 $0xffff, v8, v9;
	v8 =	vld [tilespmem:s22+$0xFFFFFF00];
	[tilespmem:s13+$0xFFFFFFF0] =	vst.msk $0xff, v6  }
0x180: {  	s26 =	simm.s32 $0x4C0;
	v6 =	vld [tilespmem:s22+$0xFFFFFF10];
	[tilespmem:s14+$0xFFFFFFF0] =	vst.msk $0xff, v10  }
0x181: {  	s2 =	sor.u32 $0x50, s26;
	v9 =	vld [tilespmem:s21+$0xFFFFFFC0]  }
0x182: {  	s4 =	sor.u32 $0x60, s26;
	v10 =	vld [tilespmem:s2+$0x0]  }
0x183: {  	s1 =	sor.u32 $0x70, s26;
	v11 =	vld [tilespmem:s4+$0x0]  }
0x184: {  	v12 =	vld [tilespmem:s1+$0x0];
	(xrf1) =	vsort.dscd.msk.f32 $0xffff, v8, v0;
	v8 =	vpop (erf)  }
0x185: {  	(xrf1) =	vsort.ascd.msk.f32 $0xffff, v6, v1;
	v6 =	vpop (erf)  }
0x186: {  	(xrf1) =	vsort.dscd.msk.f32 $0xffff, v9, v0;
	v9, v14, _ =	vpop (xrf1)  }
0x187: {  	(xrf1) =	vsort.ascd.msk.f32 $0xffff, v10, v1;
	v10, v15, _ =	vpop (xrf1)  }
0x188: {  	v4 =	vmul.f32 v8, v4;
	(xrf1) =	vsort.dscd.msk.f32 $0xffff, v11, v2;
	v11, v16, _ =	vpop (xrf1)  }
0x189: {  	v5 =	vmul.f32 v6, v5;
	vm1 =	vge.f32 v9, v10;
	(xrf1) =	vsort.ascd.msk.f32 $0xffff, v12, v3;
	v6, v12, _ =	vpop (xrf1)  }
0x18a: {  	v9 =	vsel vm1, v9, v10;
	v10 =	vsel vm1, v14, v15;
	vm1 =	vge.f32 v11, v6  }
0x18b: {  	s17 =	simm.s32 $0x10120;
	v8 =	vld [tilespmem:s22+$0xFFFFFF20];
	v6 =	vsel vm1, v11, v6  }
0x18c: {  	s18 =	simm.s32 $0x121A0;
	[tilespmem:s17+$0xFFFFFFE0] =	vst.msk $0xff, v4  }
0x18d: {  	s5 =	simm.s32 $0x840;
	[tilespmem:s18+$0xFFFFFFE0] =	vst.msk $0xff, v7;
	(xrf1) =	vsort.dscd.msk.f32 $0xffff, v9, v10;
	v9 =	vld [tilespmem:s22+$0xFFFFFF30];
	v4, v14, _ =	vpop (xrf1);
	v11 =	vsel vm1, v16, v12  }
0x18e: {  	s6 =	sor.u32 $0x50, s5;
	[tilespmem:s15+$0xFFFFFFE8] =	vst.msk $0xff, v5;
	v10 =	vld [tilespmem:s19+$0xFFFFFF40];
	(xrf1) =	vsort.ascd.msk.f32 $0xffff, v6, v11;
	v6, v7, _ =	vpop (xrf1)  }
0x18f: {  	v5 =	vld [tilespmem:s6+$0x0];
	[tilespmem:s16+$0xFFFFFFE8] =	vst.msk $0xff, v13;
	vm1 =	vge.f32 v4, v6  }
0x190: {  	(xrf1) =	vsort.dscd.msk.f32 $0xffff, v8, v2;
	v4 =	vsel vm1, v4, v6;
	v6 =	vsel vm1, v14, v7;
	v7 =	vld [tilespmem:s20+$0xFFFFFF80]  }
0x191: {  	(xrf1) =	vsort.dscd.msk.f32 $0xffff, v4, v6;
	v4 =	vld [tilespmem:s20+$0xFFFFFF90]  }
0x192: {  	v6 =	vld [tilespmem:s20+$0xFFFFFFA0];
	(xrf1) =	vsort.ascd.msk.f32 $0xffff, v9, v3  }
0x193: {  	s7 =	sor.u32 $0x60, s5;
	v8 =	vld [tilespmem:s20+$0xFFFFFFB0];
	(xrf1) =	vsort.dscd.msk.f32 $0xffff, v10, v0  }
0x194: {  	s1 =	sor.u32 $0x70, s5;
	v9, v10, _ =	vpop (xrf1);
	(xrf1) =	vsort.ascd.msk.f32 $0xffff, v5, v1;
	v5 =	vld [tilespmem:s7+$0x0]  }
0x195: {  	v11, v12, _ =	vpop (xrf1);
	(xrf1) =	vsort.dscd.msk.f32 $0xffff, v7, v0;
	v7 =	vld [tilespmem:s1+$0x0]  }
0x196: {  	(xrf1) =	vsort.ascd.msk.f32 $0xffff, v4, v1;
	v4, v13, _ =	vpop (xrf1)  }
0x197: {  	(xrf1) =	vsort.dscd.msk.f32 $0xffff, v6, v2;
	v6, v14, _ =	vpop (xrf1)  }
0x198: {  	(xrf1) =	vsort.ascd.msk.f32 $0xffff, v8, v3;
	v8, v15, _ =	vpop (xrf1);
	vm1 =	vge.f32 v4, v6  }
0x199: {  	(xrf1) =	vsort.dscd.msk.f32 $0xffff, v5, v2;
	v5, v16, _ =	vpop (xrf1);
	v4 =	vsel vm1, v4, v6  }
0x19a: {  	v6 =	vsel vm1, v13, v14;
	(xrf1) =	vsort.ascd.msk.f32 $0xffff, v7, v3;
	vm1 =	vge.f32 v8, v5  }
0x19b: {  	v7, v17, _ =	vpop (xrf1);
	(xrf1) =	vsort.dscd.msk.f32 $0xffff, v4, v6;
	v4 =	vsel vm1, v8, v5;
	v5 =	vsel vm1, v15, v16;
	_ =	sdelay $0x1  }
0x19c: {  	v13, v14, _ =	vpop (xrf1)  }
0x19d: {  	vm1 =	vge.f32 v7, v13  }
0x19e: {  	(xrf1) =	vsort.ascd.msk.f32 $0xffff, v4, v5;
	v6 =	vsel vm1, v7, v13;
	v7 =	vsel vm1, v17, v14;
	v4, v5, _ =	vpop (xrf1)  }
0x19f: {  	v8, v13, _ =	vpop (xrf1)  }
0x1a0: {  	vm1 =	vge.f32 v9, v11;
	(xrf1) =	vsort.dscd.msk.f32 $0xffff, v6, v7;
	v6 =	vbroadcast v8, $0x0  }
0x1a1: {  	v9 =	vsel vm1, v9, v11;
	v7, v14, _ =	vpop (xrf1)  }
0x1a2: {  	v15, v16, _ =	vpop (xrf1);
	vm2 =	vge.f32 v4, v7;
	v6 =	vsub.f32 v8, v6  }
0x1a3: {  	v8, v17, _ =	vpop (xrf1);
	v5 =	vsel vm2, v5, v14  }
0x1a4: {  	v10 =	vsel vm1, v10, v12;
	v4 =	vsel vm2, v4, v7;
	v18, v19, _ =	vpop (xrf1);
	v6 =	vmul.f32 $1.442695020e+00, v6  }
0x1a5: {  	(xrf1) =	vsort.dscd.msk.f32 $0xffff, v9, v10;
	v7, v9, _ =	vpop (xrf1)  }
0x1a6: {  	vm1 =	vge.f32 v18, v7  }
0x1a7: {  	(xrf1) =	vsort.ascd.msk.f32 $0xffff, v4, v5;
	v4, v5, _ =	vpop (xrf1);
	v7 =	vsel vm1, v18, v7  }
0x1a8: {  	(erf) = vpow2.f32 v6;
	v6, v10, _ =	vpop (xrf1)  }
0x1a9: {  	v9 =	vsel vm1, v19, v9;
	vm1 =	vge.f32 v4, v6  }
0x1aa: {  	v11, v12, _ =	vpop (xrf1);
	(xrf1) =	vsort.dscd.msk.f32 $0xffff, v7, v9;
	v4 =	vsel vm1, v4, v6;
	v5 =	vsel vm1, v5, v10  }
0x1ab: {  	vm1 =	vge.f32 v15, v8;
	v6, v7, _ =	vpop (xrf1);
	(xrf1) =	vsort.ascd.msk.f32 $0xffff, v4, v5  }
0x1ac: {  	v4 =	vsel vm1, v15, v8;
	v5 =	vsel vm1, v16, v17;
	vm1 =	vge.f32 v11, v6  }
0x1ad: {  	v8, v9, _ =	vpop (xrf1);
	(xrf1) =	vsort.dscd.msk.f32 $0xffff, v4, v5;
	v4 =	vsel vm1, v11, v6  }
0x1ae: {  	v5 =	vsel vm1, v12, v7;
	v6, v7, _ =	vpop (xrf1)  }
0x1af: {  	vm1 =	vge.f32 v8, v6  }
0x1b0: {  	(xrf1) =	vsort.ascd.msk.f32 $0xffff, v4, v5;
	v5 =	vsel vm1, v8, v6;
	v6 =	vsel vm1, v9, v7;
	v4, v10, _ =	vpop (xrf1)  }
0x1b1: {  	(xrf1) =	vsort.dscd.msk.f32 $0xffff, v5, v6;
	v5 =	vbroadcast v4, $0x0;
	_ =	sdelay $0x2  }
0x1b2: {  	v6 =	vpop (erf);
	v4 =	vsub.f32 v4, v5  }
0x1b3: {  	v5, v7, _ =	vpop (xrf1)  }
0x1b4: {  	v6 =	vnsel vm0, $0x0, v6;
	v4 =	vmul.f32 $1.442695020e+00, v4;
	v8, v9, _ =	vpop (xrf1)  }
0x1b5: {  	(xrf2) =	vadd.scan.msk.f32 $0xffff, v6;
	vm1 =	vge.f32 v5, v8  }
0x1b6: {  	(erf) = vpow2.f32 v4;
	v4 =	vsel vm1, v5, v8;
	v5 =	vsel vm1, v7, v9;
	_ =	sdelay $0x2  }
0x1b7: {  	v7, v8, _ =	vpop (xrf1)  }
0x1b8: {  	(xrf1) =	vsort.dscd.msk.f32 $0xffff, v4, v5;
	v4, v5, _ =	vpop (xrf1)  }
0x1b9: {  	vm1 =	vge.f32 v7, v4;
	v9, v11, _ =	vpop (xrf1)  }
0x1ba: {  	v4 =	vsel vm1, v7, v4;
	v5 =	vsel vm1, v8, v5;
	v7, v8, _ =	vpop (xrf1)  }
0x1bb: {  	vm1 =	vge.f32 v9, v7  }
0x1bc: {  	(xrf1) =	vsort.dscd.msk.f32 $0xffff, v4, v5;
	v5 =	vsel vm1, v9, v7;
	v7 =	vsel vm1, v11, v8;
	v8, v9, _ =	vpop (xrf1)  }
0x1bd: {  	v4, _, _ =	vpop (xrf2)  }
0x1be: {  	(xrf1) =	vsort.dscd.msk.f32 $0xffff, v5, v7;
	v5 =	vbroadcast v8, $0x0;
	v4 =	vbroadcast v4, $0xF;
	_ =	sdelay $0x1  }
0x1bf: {  	(erf) = vrcp.f32 v4;
	v4 =	vsub.f32 v8, v5;
	_ =	sdelay $0x1  }
0x1c0: {  	v7 =	vpop (erf);
	v4 =	vmul.f32 $1.442695020e+00, v4  }
0x1c1: {  	v7 =	vnsel vm0, $0x0, v7  }
0x1c2: {  	(xrf2) =	vadd.scan.msk.f32 $0xffff, v7;
	_ =	sdelay $0x2  }
0x1c3: {  	(erf) = vpow2.f32 v4;
	v5, v4, _ =	vpop (xrf1)  }
0x1c4: {  	v8 =	vbroadcast v5, $0x0;
	_ =	sdelay $0x1  }
0x1c5: {  	v5 =	vsub.f32 v5, v8;
	_ =	sdelay $0x1  }
0x1c6: {  	v5 =	vmul.f32 $1.442695020e+00, v5  }
0x1c7: {  	v11 =	vpop (erf)  }
0x1c8: {  	v6 =	vmul.f32 v11, v6;
	v12, _, _ =	vpop (xrf2)  }
0x1c9: {  	v8, v11, _ =	vpop (xrf1)  }
0x1ca: {  	[tilespmem:s23+$0x8] =	vst.msk $0xff, v6;
	v12 =	vbroadcast v12, $0xF;
	v6 =	vbroadcast v8, $0x0  }
0x1cb: {  	[tilespmem:s24+$0x8] =	vst.msk $0xff, v13;
	(erf) = vpow2.f32 v5;
	v13, v5, _ =	vpop (xrf1)  }
0x1cc: {  	v14 =	vld [tilespmem:s0+$0x80];
	v6 =	vsub.f32 v8, v6;
	v8 =	vpop (erf);
	(erf) = vrcp.f32 v12;
	v15 =	vbroadcast v13, $0x0  }
0x1cd: {  	v8 =	vnsel vm0, $0x0, v8  }
0x1ce: {  	v12 =	vld [tilespmem:s0+$0x90];
	v6 =	vmul.f32 $1.442695020e+00, v6;
	(xrf2) =	vadd.scan.msk.f32 $0xffff, v8;
	v13 =	vsub.f32 v13, v15  }
0x1cf: {  	v16 =	vld [tilespmem:s0+$0xA0]  }
0x1d0: {  	(erf) = vpow2.f32 v6;
	v15 =	vld [tilespmem:s0+$0xB0];
	v6 =	vmul.f32 $1.442695020e+00, v13  }
0x1d1: {  	(xrf1) =	vsort.dscd.msk.f32 $0xffff, v14, v0;
	_ =	sdelay $0x1  }
0x1d2: {  	(xrf1) =	vsort.ascd.msk.f32 $0xffff, v12, v1  }
0x1d3: {  	(xrf1) =	vsort.dscd.msk.f32 $0xffff, v16, v2;
	(erf) = vpow2.f32 v6;
	v6 =	vpop (erf)  }
0x1d4: {  	(xrf1) =	vsort.ascd.msk.f32 $0xffff, v15, v3;
	v12 =	vpop (erf)  }
0x1d5: {  	v7 =	vmul.f32 v12, v7;
	_ =	sdelay $0x1  }
0x1d6: {  	v12, _, _ =	vpop (xrf2);
	[tilespmem:s11+$0x0] =	vst.msk $0xff, v7  }
0x1d7: {  	[tilespmem:s12+$0x0] =	vst.msk $0xff, v10;
	v10 =	vbroadcast v12, $0xF  }
0x1d8: {  	s8 =	simm.s32 $0x340  }
0x1d9: {  	s9 =	sor.u32 $0x50, s8;
	v6 =	vnsel vm0, $0x0, v6;
	v7 =	vpop (erf);
	v12 =	vld [tilespmem:s25+$0x40];
	(erf) = vrcp.f32 v10  }
0x1da: {  	s26 =	sor.u32 $0x60, s8;
	(xrf2) =	vadd.scan.msk.f32 $0xffff, v6;
	v13 =	vld [tilespmem:s9+$0x0];
	v7 =	vnsel vm0, $0x0, v7  }
0x1db: {  	s1 =	sor.u32 $0x70, s8;
	v14 =	vld [tilespmem:s26+$0x0];
	(xrf2) =	vadd.scan.msk.f32 $0xffff, v7  }
0x1dc: {  	v15 =	vld [tilespmem:s1+$0x0]  }
0x1dd: {  	v16, v17, _ =	vpop (xrf1)  }
0x1de: {  	v10 =	vpop (erf);
	(xrf1) =	vsort.dscd.msk.f32 $0xffff, v12, v0  }
0x1df: {  	v12, v18, _ =	vpop (xrf1);
	(xrf1) =	vsort.ascd.msk.f32 $0xffff, v13, v1  }
0x1e0: {  	v13, v19, _ =	vpop (xrf1);
	(xrf1) =	vsort.dscd.msk.f32 $0xffff, v14, v2  }
0x1e1: {  	vm1 =	vge.f32 v16, v12;
	(xrf1) =	vsort.ascd.msk.f32 $0xffff, v15, v3;
	v14, v15, _ =	vpop (xrf1)  }
0x1e2: {  	v10 =	vnsel vm0, $0x0, v10;
	v12 =	vsel vm1, v16, v12;
	v16 =	vsel vm1, v17, v18;
	v17 =	vpop (erf)  }
0x1e3: {  	(xrf2) =	vadd.scan.msk.f32 $0xffff, v10;
	vm2 =	vge.f32 v13, v14;
	v8 =	vmul.f32 v17, v8  }
0x1e4: {  	v20, _, _ =	vpop (xrf2);
	(xrf1) =	vsort.dscd.msk.f32 $0xffff, v12, v16;
	v13 =	vsel vm2, v13, v14;
	v14 =	vsel vm2, v19, v15  }
0x1e5: {  	(xrf1) =	vsort.ascd.msk.f32 $0xffff, v13, v14;
	v12, _, _ =	vpop (xrf2);
	[tilespmem:s13+$0xFFFFFFF8] =	vst.msk $0xff, v8  }
0x1e6: {  	v12 =	vbroadcast v12, $0xF;
	[tilespmem:s14+$0xFFFFFFF8] =	vst.msk $0xff, v9  }
0x1e7: {  	v8 =	vld [tilespmem:s21+$0x0]  }
0x1e8: {  	(erf) = vrcp.f32 v12;
	v9 =	vld [tilespmem:s21+$0x10]  }
0x1e9: {  	v12 =	vld [tilespmem:s21+$0x20]  }
0x1ea: {  	v14 =	vld [tilespmem:s21+$0x30];
	_ =	sdelay $0x1  }
0x1eb: {  	v15, v16, _ =	vpop (xrf1);
	(xrf1) =	vsort.dscd.msk.f32 $0xffff, v8, v0  }
0x1ec: {  	v17, v18, _ =	vpop (xrf1);
	v8 =	vbroadcast v20, $0xF;
	(xrf1) =	vsort.ascd.msk.f32 $0xffff, v9, v1  }
0x1ed: {  	v13, _, _ =	vpop (xrf2);
	vm1 =	vge.f32 v15, v17;
	(xrf1) =	vsort.dscd.msk.f32 $0xffff, v12, v2  }
0x1ee: {  	v19, v20, _ =	vpop (xrf1);
	(xrf1) =	vsort.ascd.msk.f32 $0xffff, v14, v3;
	v14 =	vsel vm1, v16, v18  }
0x1ef: {  	v9, v59, _ =	vpop (xrf1);
	v12 =	vbroadcast v13, $0xF;
	v13 =	vsel vm1, v15, v17  }
0x1f0: {  	(erf) = vrcp.f32 v8;
	v8 =	vpop (erf)  }
0x1f1: {  	vm1 =	vge.f32 v19, v9;
	(erf) = vrcp.f32 v12;
	v7 =	vmul.f32 v8, v7;
	v8, v15, _ =	vpop (xrf1)  }
0x1f2: {  	s26 =	simm.s32 $0xD00;
	(xrf1) =	vsort.dscd.msk.f32 $0xffff, v13, v14;
	v9 =	vsel vm1, v19, v9;
	v12 =	vsel vm1, v20, v59;
	v13, v14, _ =	vpop (xrf1)  }
0x1f3: {  	(xrf1) =	vsort.ascd.msk.f32 $0xffff, v9, v12;
	v9 =	vld [tilespmem:s26+$0xFFFFFF00];
	[tilespmem:s15+$0xFFFFFFF0] =	vst.msk $0xff, v7;
	vm1 =	vge.f32 v8, v13  }
0x1f4: {  	s2 =	simm.s32 $0x6C0;
	v12 =	vld [tilespmem:s26+$0xFFFFFF10];
	[tilespmem:s16+$0xFFFFFFF0] =	vst.msk $0xff, v11;
	v7 =	vsel vm1, v8, v13;
	v8 =	vsel vm1, v15, v14  }
0x1f5: {  	s4 =	sor.u32 $0x50, s2;
	(xrf1) =	vsort.dscd.msk.f32 $0xffff, v7, v8;
	v7 =	vld [tilespmem:s20+$0xFFFFFFC0]  }
0x1f6: {  	s5 =	sor.u32 $0x60, s2;
	v8 =	vld [tilespmem:s4+$0x0]  }
0x1f7: {  	s1 =	sor.u32 $0x70, s2;
	v11 =	vld [tilespmem:s5+$0x0]  }
0x1f8: {  	(xrf1) =	vsort.dscd.msk.f32 $0xffff, v9, v0;
	v9 =	vld [tilespmem:s1+$0x0]  }
0x1f9: {  	v13 =	vpop (erf);
	(xrf1) =	vsort.ascd.msk.f32 $0xffff, v12, v1  }
0x1fa: {  	v12 =	vpop (erf);
	(xrf1) =	vsort.dscd.msk.f32 $0xffff, v7, v0  }
0x1fb: {  	(xrf1) =	vsort.ascd.msk.f32 $0xffff, v8, v1;
	v7, v8, _ =	vpop (xrf1)  }
0x1fc: {  	(xrf1) =	vsort.dscd.msk.f32 $0xffff, v11, v2;
	v11, v14, _ =	vpop (xrf1)  }
0x1fd: {  	(xrf1) =	vsort.ascd.msk.f32 $0xffff, v9, v3;
	v9, v15, _ =	vpop (xrf1);
	vm1 =	vge.f32 v7, v11  }
0x1fe: {  	v6 =	vmul.f32 v13, v6;
	v10 =	vmul.f32 v12, v10;
	v12, v13, _ =	vpop (xrf1);
	v8 =	vsel vm1, v8, v14  }
0x1ff: {  	s1 =	simm.s32 $0x10160;
	v7 =	vsel vm1, v7, v11;
	vm1 =	vge.f32 v9, v12  }
0x200: {  	[tilespmem:s1+$0xFFFFFFE0] =	vst.msk $0xff, v6;
	v6 =	vsel vm1, v9, v12;
	v9 =	vsel vm1, v15, v13  }
0x201: {  	v16 =	vld [tilespmem:s26+$0xFFFFFF20];
	v11, v14, _ =	vpop (xrf1)  }
0x202: {  	s8 =	simm.s32 $0x121E0;
	(xrf1) =	vsort.dscd.msk.f32 $0xffff, v7, v8;
	v7, v8, _ =	vpop (xrf1)  }
0x203: {  	[tilespmem:s8+$0xFFFFFFE0] =	vst.msk $0xff, v4;
	vm1 =	vge.f32 v11, v7  }
0x204: {  	s6 =	simm.s32 $0xA40;
	[tilespmem:s17+$0xFFFFFFE8] =	vst.msk $0xff, v10;
	v12 =	vld [tilespmem:s26+$0xFFFFFF30];
	(xrf1) =	vsort.ascd.msk.f32 $0xffff, v6, v9;
	v6 =	vsel vm1, v11, v7;
	v7 =	vsel vm1, v14, v8;
	v8, v9, _ =	vpop (xrf1)  }
0x205: {  	s4 =	sor.u32 $0x50, s6;
	v4 =	vld [tilespmem:s22+$0xFFFFFF40];
	[tilespmem:s18+$0xFFFFFFE8] =	vst.msk $0xff, v5;
	v5 =	vbroadcast v8, $0x0  }
0x206: {  	v10 =	vld [tilespmem:s4+$0x0];
	(xrf1) =	vsort.dscd.msk.f32 $0xffff, v16, v2  }
0x207: {  	(xrf1) =	vsort.dscd.msk.f32 $0xffff, v6, v7;
	v6 =	vld [tilespmem:s19+$0xFFFFFF80];
	v5 =	vsub.f32 v8, v5  }
0x208: {  	v7 =	vld [tilespmem:s19+$0xFFFFFF90]  }
0x209: {  	(xrf1) =	vsort.ascd.msk.f32 $0xffff, v12, v3;
	v8 =	vld [tilespmem:s19+$0xFFFFFFA0];
	v5 =	vmul.f32 $1.442695020e+00, v5  }
0x20a: {  	s7 =	sor.u32 $0x60, s6;
	(xrf1) =	vsort.dscd.msk.f32 $0xffff, v4, v0;
	v4 =	vld [tilespmem:s19+$0xFFFFFFB0]  }
0x20b: {  	s3 =	sor.u32 $0x70, s6;
	v11, v12, _ =	vpop (xrf1);
	(xrf1) =	vsort.ascd.msk.f32 $0xffff, v10, v1;
	v10 =	vld [tilespmem:s7+$0x0]  }
0x20c: {  	v13, v14, _ =	vpop (xrf1);
	(xrf1) =	vsort.dscd.msk.f32 $0xffff, v6, v0;
	v6 =	vld [tilespmem:s3+$0x0]  }
0x20d: {  	(erf) = vpow2.f32 v5;
	v5, v15, _ =	vpop (xrf1);
	(xrf1) =	vsort.ascd.msk.f32 $0xffff, v7, v1  }
0x20e: {  	v7, v16, _ =	vpop (xrf1);
	(xrf1) =	vsort.dscd.msk.f32 $0xffff, v8, v2  }
0x20f: {  	v8, v17, _ =	vpop (xrf1);
	(xrf1) =	vsort.ascd.msk.f32 $0xffff, v4, v3  }
0x210: {  	vm1 =	vge.f32 v5, v7;
	v4, v18, _ =	vpop (xrf1);
	(xrf1) =	vsort.dscd.msk.f32 $0xffff, v10, v2  }
0x211: {  	v10, v19, _ =	vpop (xrf1);
	(xrf1) =	vsort.ascd.msk.f32 $0xffff, v6, v3;
	v6 =	vsel vm1, v15, v16  }
0x212: {  	v5 =	vsel vm1, v5, v7;
	vm1 =	vge.f32 v8, v4  }
0x213: {  	v4 =	vsel vm1, v8, v4;
	v8 =	vsel vm1, v17, v18  }
0x214: {  	v7, v15, _ =	vpop (xrf1)  }
0x215: {  	(xrf1) =	vsort.dscd.msk.f32 $0xffff, v5, v6;
	vm1 =	vge.f32 v10, v7;
	v5, v6, _ =	vpop (xrf1)  }
0x216: {  	(xrf1) =	vsort.ascd.msk.f32 $0xffff, v4, v8;
	v4 =	vsel vm1, v10, v7;
	v7 =	vsel vm1, v19, v15;
	v8, v10, _ =	vpop (xrf1)  }
0x217: {  	(xrf1) =	vsort.dscd.msk.f32 $0xffff, v4, v7;
	v4 =	vbroadcast v8, $0x0;
	_ =	sdelay $0x1  }
0x218: {  	vm1 =	vge.f32 v11, v13;
	v15, v16, _ =	vpop (xrf1);
	v4 =	vsub.f32 v8, v4  }
0x219: {  	v12 =	vsel vm1, v12, v14;
	v7 =	vpop (erf);
	vm2 =	vge.f32 v5, v15  }
0x21a: {  	v11 =	vsel vm1, v11, v13;
	v8, v17, _ =	vpop (xrf1);
	v5 =	vsel vm2, v5, v15;
	v4 =	vmul.f32 $1.442695020e+00, v4  }
0x21b: {  	v7 =	vnsel vm0, $0x0, v7;
	v18, v19, _ =	vpop (xrf1)  }
0x21c: {  	(xrf2) =	vadd.scan.msk.f32 $0xffff, v7;
	v20, v21, _ =	vpop (xrf1)  }
0x21d: {  	(xrf1) =	vsort.dscd.msk.f32 $0xffff, v11, v12;
	v6 =	vsel vm2, v6, v16;
	v11, v12, _ =	vpop (xrf1)  }
0x21e: {  	(xrf1) =	vsort.ascd.msk.f32 $0xffff, v5, v6;
	(erf) = vpow2.f32 v4;
	vm1 =	vge.f32 v20, v11;
	v4, v5, _ =	vpop (xrf1)  }
0x21f: {  	v6 =	vsel vm1, v20, v11;
	v11 =	vsel vm1, v21, v12;
	v12, v13, _ =	vpop (xrf1)  }
0x220: {  	vm1 =	vge.f32 v4, v12  }
0x221: {  	v5 =	vsel vm1, v5, v13  }
0x222: {  	vm2 =	vge.f32 v8, v18;
	v14, v15, _ =	vpop (xrf1);
	v4 =	vsel vm1, v4, v12  }
0x223: {  	v8 =	vsel vm2, v8, v18;
	(xrf1) =	vsort.dscd.msk.f32 $0xffff, v6, v11;
	v6, v11, _ =	vpop (xrf1)  }
0x224: {  	v12 =	vsel vm2, v17, v19;
	vm1 =	vge.f32 v14, v6  }
0x225: {  	(xrf1) =	vsort.ascd.msk.f32 $0xffff, v4, v5;
	v11 =	vsel vm1, v15, v11;
	v4, v5, _ =	vpop (xrf1)  }
0x226: {  	v6 =	vsel vm1, v14, v6;
	(xrf1) =	vsort.dscd.msk.f32 $0xffff, v8, v12;
	v8, _, _ =	vpop (xrf2)  }
0x227: {  	v12, v13, _ =	vpop (xrf1)  }
0x228: {  	v8 =	vbroadcast v8, $0xF;
	(xrf1) =	vsort.ascd.msk.f32 $0xffff, v6, v11;
	vm1 =	vge.f32 v4, v12  }
0x229: {  	v6, v11, _ =	vpop (xrf1);
	v4 =	vsel vm1, v4, v12;
	v5 =	vsel vm1, v5, v13  }
0x22a: {  	(erf) = vrcp.f32 v8;
	(xrf1) =	vsort.dscd.msk.f32 $0xffff, v4, v5;
	v4 =	vbroadcast v6, $0x0  }
0x22b: {  	v12 =	vpop (erf)  }
0x22c: {  	v5 =	vnsel vm0, $0x0, v12;
	v4 =	vsub.f32 v6, v4  }
0x22d: {  	(xrf2) =	vadd.scan.msk.f32 $0xffff, v5;
	v6, v8, _ =	vpop (xrf1)  }
0x22e: {  	v12, v13, _ =	vpop (xrf1);
	v4 =	vmul.f32 $1.442695020e+00, v4  }
0x22f: {  	vm1 =	vge.f32 v6, v12  }
0x230: {  	(erf) = vpow2.f32 v4;
	v4 =	vsel vm1, v6, v12  }
0x231: {  	v6 =	vsel vm1, v8, v13  }
0x232: {  	v8, v12, _ =	vpop (xrf1)  }
0x233: {  	(xrf1) =	vsort.dscd.msk.f32 $0xffff, v4, v6;
	v4 =	vpop (erf)  }
0x234: {  	v6, v13, _ =	vpop (xrf1);
	v4 =	vmul.f32 v4, v7  }
0x235: {  	v7, v14, _ =	vpop (xrf1);
	vm1 =	vge.f32 v8, v6  }
0x236: {  	[tilespmem:s23+$0x10] =	vst.msk $0xff, v4;
	v4 =	vsel vm1, v8, v6;
	v6 =	vsel vm1, v12, v13;
	v8, v12, _ =	vpop (xrf1)  }
0x237: {  	v15, _, _ =	vpop (xrf2);
	[tilespmem:s24+$0x10] =	vst.msk $0xff, v9;
	vm1 =	vge.f32 v7, v8  }
0x238: {  	v13 =	vbroadcast v15, $0xF;
	(xrf1) =	vsort.dscd.msk.f32 $0xffff, v4, v6;
	v4 =	vld [tilespmem:s0+$0xC0];
	v6 =	vsel vm1, v7, v8;
	v7 =	vsel vm1, v14, v12;
	v8, v12, _ =	vpop (xrf1)  }
0x239: {  	(xrf1) =	vsort.dscd.msk.f32 $0xffff, v6, v7;
	v6 =	vbroadcast v8, $0x0  }
0x23a: {  	s9 =	simm.s32 $0x1C0;
	(erf) = vrcp.f32 v13  }
0x23b: {  	s2 =	sor.u32 $0x50, s9;
	v6 =	vsub.f32 v8, v6  }
0x23c: {  	s4 =	sor.u32 $0x60, s9;
	v9 =	vld [tilespmem:s2+$0x0]  }
0x23d: {  	s5 =	sor.u32 $0x70, s9;
	v13 =	vld [tilespmem:s4+$0x0];
	v7 =	vpop (erf);
	(xrf1) =	vsort.dscd.msk.f32 $0xffff, v4, v0;
	v4 =	vmul.f32 $1.442695020e+00, v6  }
0x23e: {  	v14 =	vnsel vm0, $0x0, v7;
	v7 =	vld [tilespmem:s5+$0x0]  }
0x23f: {  	(xrf2) =	vadd.scan.msk.f32 $0xffff, v14;
	_ =	sdelay $0x1  }
0x240: {  	(xrf1) =	vsort.ascd.msk.f32 $0xffff, v9, v1  }
0x241: {  	(xrf1) =	vsort.dscd.msk.f32 $0xffff, v13, v2;
	(erf) = vpow2.f32 v4;
	v6, v4, _ =	vpop (xrf1)  }
0x242: {  	(xrf1) =	vsort.ascd.msk.f32 $0xffff, v7, v3;
	v7 =	vpop (erf);
	v8 =	vbroadcast v6, $0x0  }
0x243: {  	v5 =	vmul.f32 v7, v5  }
0x244: {  	v6 =	vsub.f32 v6, v8;
	_ =	sdelay $0x2  }
0x245: {  	[tilespmem:s11+$0x8] =	vst.msk $0xff, v5;
	v5, v7, _ =	vpop (xrf1)  }
0x246: {  	[tilespmem:s12+$0x8] =	vst.msk $0xff, v10;
	v9, _, _ =	vpop (xrf2)  }
0x247: {  	v13 =	vld [tilespmem:s25+$0x80];
	v8 =	vmul.f32 $1.442695020e+00, v6;
	v9 =	vbroadcast v9, $0xF;
	v15, v6, _ =	vpop (xrf1)  }
0x248: {  	v16 =	vld [tilespmem:s25+$0x90];
	v10 =	vbroadcast v5, $0x0;
	v17 =	vbroadcast v15, $0x0  }
0x249: {  	(erf) = vpow2.f32 v8  }
0x24a: {  	v5 =	vsub.f32 v5, v10;
	v10 =	vld [tilespmem:s25+$0xA0];
	(erf) = vrcp.f32 v9  }
0x24b: {  	v8 =	vpop (erf)  }
0x24c: {  	v5 =	vmul.f32 $1.442695020e+00, v5;
	(xrf1) =	vsort.dscd.msk.f32 $0xffff, v13, v0;
	v18 =	vnsel vm0, $0x0, v8;
	v8, v9, _ =	vpop (xrf1)  }
0x24d: {  	(xrf1) =	vsort.ascd.msk.f32 $0xffff, v16, v1;
	v15 =	vsub.f32 v15, v17;
	v13, v17, _ =	vpop (xrf1)  }
0x24e: {  	(xrf2) =	vadd.scan.msk.f32 $0xffff, v18;
	(erf) = vpow2.f32 v5;
	v5 =	vld [tilespmem:s25+$0xB0];
	v16, v19, _ =	vpop (xrf1);
	vm1 =	vge.f32 v8, v13  }
0x24f: {  	(xrf1) =	vsort.dscd.msk.f32 $0xffff, v10, v2;
	v10, v20, _ =	vpop (xrf1);
	v8 =	vsel vm1, v8, v13  }
0x250: {  	v9 =	vsel vm1, v9, v17;
	vm1 =	vge.f32 v16, v10  }
0x251: {  	(xrf1) =	vsort.dscd.msk.f32 $0xffff, v8, v9;
	v10 =	vsel vm1, v16, v10;
	v13 =	vsel vm1, v19, v20  }
0x252: {  	(xrf1) =	vsort.ascd.msk.f32 $0xffff, v10, v13;
	v8 =	vpop (erf)  }
0x253: {  	(xrf1) =	vsort.ascd.msk.f32 $0xffff, v5, v3;
	v5 =	vpop (erf)  }
0x254: {  	v5 =	vmul.f32 v5, v14;
	_ =	sdelay $0x1  }
0x255: {  	v15 =	vmul.f32 $1.442695020e+00, v15  }
0x256: {  	[tilespmem:s13+$0x0] =	vst.msk $0xff, v5  }
0x257: {  	s6 =	simm.s32 $0x540;
	(erf) = vpow2.f32 v15;
	[tilespmem:s14+$0x0] =	vst.msk $0xff, v11;
	v5, _, _ =	vpop (xrf2)  }
0x258: {  	s7 =	sor.u32 $0x50, s6;
	v10 =	vld [tilespmem:s21+$0x40];
	v5 =	vbroadcast v5, $0xF  }
0x259: {  	s9 =	sor.u32 $0x60, s6;
	v11 =	vld [tilespmem:s7+$0x0]  }
0x25a: {  	v8 =	vnsel vm0, $0x0, v8;
	v9 =	vpop (erf);
	(erf) = vrcp.f32 v5;
	v5 =	vld [tilespmem:s9+$0x0]  }
0x25b: {  	(xrf2) =	vadd.scan.msk.f32 $0xffff, v8;
	v13 =	vnsel vm0, $0x0, v9;
	v14, v15, _ =	vpop (xrf1)  }
0x25c: {  	(xrf2) =	vadd.scan.msk.f32 $0xffff, v13;
	v17, v19, _ =	vpop (xrf1)  }
0x25d: {  	s0 =	sor.u32 $0x70, s6;
	v20, v60, _ =	vpop (xrf1);
	(xrf1) =	vsort.dscd.msk.f32 $0xffff, v10, v0  }
0x25e: {  	v16 =	vld [tilespmem:s0+$0x0];
	(xrf1) =	vsort.ascd.msk.f32 $0xffff, v11, v1;
	v10, v11, _ =	vpop (xrf1)  }
0x25f: {  	(xrf1) =	vsort.dscd.msk.f32 $0xffff, v5, v2;
	v5, v22, _ =	vpop (xrf1)  }
0x260: {  	v9 =	vpop (erf);
	vm2 =	vge.f32 v10, v5  }
0x261: {  	v9 =	vnsel vm0, $0x0, v9;
	v5 =	vsel vm2, v10, v5  }
0x262: {  	(xrf2) =	vadd.scan.msk.f32 $0xffff, v9  }
0x263: {  	vm1 =	vge.f32 v14, v17;
	(xrf1) =	vsort.ascd.msk.f32 $0xffff, v16, v3;
	v16, v23, _ =	vpop (xrf1);
	v10 =	vsel vm2, v11, v22  }
0x264: {  	v14 =	vsel vm1, v14, v17;
	(xrf1) =	vsort.dscd.msk.f32 $0xffff, v5, v10;
	v5 =	vpop (erf)  }
0x265: {  	v15 =	vsel vm1, v15, v19;
	v24, _, _ =	vpop (xrf2);
	vm3 =	vge.f32 v20, v16;
	v5 =	vmul.f32 v5, v18  }
0x266: {  	v11, _, _ =	vpop (xrf2);
	v10 =	vsel vm3, v20, v16;
	v16 =	vsel vm3, v60, v23;
	(xrf1) =	vsort.dscd.msk.f32 $0xffff, v14, v15  }
0x267: {  	v11 =	vbroadcast v11, $0xF;
	(xrf1) =	vsort.ascd.msk.f32 $0xffff, v10, v16;
	[tilespmem:s15+$0xFFFFFFF8] =	vst.msk $0xff, v5  }
0x268: {  	[tilespmem:s16+$0xFFFFFFF8] =	vst.msk $0xff, v12  }
0x269: {  	(erf) = vrcp.f32 v11;
	v5 =	vld [tilespmem:s20+$0x0]  }
0x26a: {  	v10 =	vld [tilespmem:s20+$0x10]  }
0x26b: {  	v12 =	vld [tilespmem:s20+$0x20]  }
0x26c: {  	v14 =	vld [tilespmem:s20+$0x30]  }
0x26d: {  	v11, _, _ =	vpop (xrf2)  }
0x26e: {  	v15, v16, _ =	vpop (xrf1);
	(xrf1) =	vsort.dscd.msk.f32 $0xffff, v5, v0;
	v5 =	vbroadcast v11, $0xF  }
0x26f: {  	v17, v18, _ =	vpop (xrf1);
	(xrf1) =	vsort.ascd.msk.f32 $0xffff, v10, v1  }
0x270: {  	v19 =	vbroadcast v24, $0xF;
	vm1 =	vge.f32 v15, v17;
	v20, v61, _ =	vpop (xrf1);
	(xrf1) =	vsort.dscd.msk.f32 $0xffff, v12, v2  }
0x271: {  	v62, v63, _ =	vpop (xrf1);
	(xrf1) =	vsort.ascd.msk.f32 $0xffff, v14, v3;
	v14 =	vsel vm1, v15, v17  }
0x272: {  	s31 =	simm.s32 $0x9C0;
	(erf) = vrcp.f32 v19;
	v11 =	vpop (erf)  }
0x273: {  	s29 =	simm.s32 $0x10160;
	s28 =	simm.s32 $0x121E0;
	s30 =	simm.s32 $0xBC0;
	(erf) = vrcp.f32 v5;
	v15 =	vsel vm1, v16, v18;
	v10, v5, _ =	vpop (xrf1)  }
0x274: {  	s3 =	simm.s32 $0x5C0;
	s4 =	simm.s32 $0x3C0;
	s6 =	simm.s32 $0xF00;
	v13 =	vmul.f32 v11, v13;
	vm1 =	vge.f32 v20, v62;
	(xrf1) =	vsort.dscd.msk.f32 $0xffff, v14, v15;
	v12, v11, _ =	vpop (xrf1);
	v15 =	vbroadcast v10, $0x0  }
0x275: {  	s5 =	simm.s32 $0x30;
	s0 =	simm.s32 $0x7C0;
	s9 =	simm.s32 $0xBC0;
	v17 =	vsel vm1, v20, v62;
	v18 =	vsel vm1, v61, v63;
	v16, v14, _ =	vpop (xrf1)  }
.LBB2_2:
0x276: {  	v19 =	vld [tilespmem:s6+$0xFFFFFF00];
	[tilespmem:s17+$0xFFFFFFF0] =	vst.msk $0xff, v13;
	(xrf1) =	vsort.ascd.msk.f32 $0xffff, v17, v18;
	vm1 =	vge.f32 v12, v16;
	v10 =	vsub.f32 v10, v15  }
0x277: {  	s2 =	sadd.s32 $0xFFFFFF00, s31;
	v13 =	vld [tilespmem:s6+$0xFFFFFF10];
	[tilespmem:s18+$0xFFFFFFF0] =	vst.msk $0xff, v7;
	v7 =	vsel vm1, v12, v16;
	v11 =	vsel vm1, v11, v14  }
0x278: {  	s7 =	sor.u32 $0x50, s2;
	v12 =	vld [tilespmem:s19+$0xFFFFFFC0];
	(xrf1) =	vsort.dscd.msk.f32 $0xffff, v7, v11;
	v14 =	vmul.f32 $1.442695020e+00, v10  }
0x279: {  	v10 =	vld [tilespmem:s7+$0x0];
	s7 =	sor.u32 $0x60, s2  }
0x27a: {  	s2 =	sor.u32 $0x70, s2;
	v11 =	vld [tilespmem:s7+$0x0];
	(erf) = vpow2.f32 v14  }
0x27b: {  	(xrf1) =	vsort.dscd.msk.f32 $0xffff, v19, v0;
	v7 =	vpop (erf);
	v14 =	vld [tilespmem:s2+$0x0]  }
0x27c: {  	(xrf1) =	vsort.ascd.msk.f32 $0xffff, v13, v1;
	v13 =	vpop (erf)  }
0x27d: {  	(xrf1) =	vsort.dscd.msk.f32 $0xffff, v12, v0  }
0x27e: {  	(xrf1) =	vsort.ascd.msk.f32 $0xffff, v10, v1;
	v10, v12, _ =	vpop (xrf1)  }
0x27f: {  	(xrf1) =	vsort.dscd.msk.f32 $0xffff, v11, v2;
	v11, v15, _ =	vpop (xrf1)  }
0x280: {  	(xrf1) =	vsort.ascd.msk.f32 $0xffff, v14, v3;
	v14, v16, _ =	vpop (xrf1)  }
0x281: {  	v7 =	vmul.f32 v7, v8;
	v8 =	vmul.f32 v13, v9;
	vm1 =	vge.f32 v10, v11;
	v17 =	vld [tilespmem:s6+$0xFFFFFF20];
	v9, v13, _ =	vpop (xrf1)  }
0x282: {  	s1 =	sadd.s32 $0x40, s1;
	v18 =	vsel vm1, v10, v11;
	v11 =	vsel vm1, v12, v15;
	vm1 =	vge.f32 v14, v9;
	v12, v15, _ =	vpop (xrf1)  }
0x283: {  	[tilespmem:s1+$0xFFFFFFE0] =	vst.msk $0xff, v7;
	v7 =	vsel vm1, v14, v9;
	_ =	sdelay $0x2  }
0x284: {  	s9 =	sadd.s32 $0x200, s9;
	s8 =	sadd.s32 $0x40, s8;
	v9 =	vsel vm1, v16, v13;
	(xrf1) =	vsort.dscd.msk.f32 $0xffff, v18, v11;
	v10 =	vpop (erf)  }
0x285: {  	s2 =	sadd.s32 $0xFFFFFE80, s9;
	v11 =	vld [tilespmem:s6+$0xFFFFFF30];
	[tilespmem:s8+$0xFFFFFFE0] =	vst.msk $0xff, v4;
	(xrf1) =	vsort.ascd.msk.f32 $0xffff, v7, v9;
	v9 =	vnsel vm0, $0x0, v10;
	v4, v7, _ =	vpop (xrf1)  }
0x286: {  	s7 =	sor.u32 $0x50, s2;
	v10 =	vld [tilespmem:s26+$0xFFFFFF40];
	[tilespmem:s29+$0xFFFFFFE8] =	vst.msk $0xff, v8;
	vm1 =	vge.f32 v12, v4;
	(xrf2) =	vadd.scan.msk.f32 $0xffff, v9  }
0x287: {  	(xrf1) =	vsort.dscd.msk.f32 $0xffff, v17, v2;
	v8 =	vld [tilespmem:s7+$0x0];
	[tilespmem:s28+$0xFFFFFFE8] =	vst.msk $0xff, v6;
	v6 =	vsel vm1, v12, v4;
	v7 =	vsel vm1, v15, v7;
	v12, v4, _ =	vpop (xrf1)  }
0x288: {  	v13 =	vld [tilespmem:s22+$0xFFFFFF80];
	(xrf1) =	vsort.dscd.msk.f32 $0xffff, v6, v7;
	v6 =	vbroadcast v12, $0x0;
	_ =	sdelay $0x1  }
0x289: {  	v7, v14, _ =	vpop (xrf1);
	(xrf1) =	vsort.ascd.msk.f32 $0xffff, v11, v3;
	v11 =	vld [tilespmem:s22+$0xFFFFFF90];
	v6 =	vsub.f32 v12, v6  }
0x28a: {  	v12, v15, _ =	vpop (xrf1);
	(xrf1) =	vsort.dscd.msk.f32 $0xffff, v10, v0;
	v10 =	vld [tilespmem:s22+$0xFFFFFFA0]  }
0x28b: {  	s7 =	sor.u32 $0x60, s2;
	(xrf1) =	vsort.ascd.msk.f32 $0xffff, v8, v1;
	v8 =	vld [tilespmem:s22+$0xFFFFFFB0];
	v16, v17, _ =	vpop (xrf1);
	v23 =	vmul.f32 $1.442695020e+00, v6  }
0x28c: {  	s2 =	sor.u32 $0x70, s2;
	v18 =	vld [tilespmem:s7+$0x0];
	(xrf1) =	vsort.dscd.msk.f32 $0xffff, v13, v0;
	v13, v19, _ =	vpop (xrf1)  }
0x28d: {  	v20 =	vld [tilespmem:s2+$0x0];
	v21, v22, _ =	vpop (xrf1);
	(erf) = vpow2.f32 v23  }
0x28e: {  	(xrf1) =	vsort.ascd.msk.f32 $0xffff, v11, v1;
	v6, v11, _ =	vpop (xrf1)  }
0x28f: {  	(xrf1) =	vsort.dscd.msk.f32 $0xffff, v10, v2;
	v10, _, _ =	vpop (xrf2)  }
0x290: {  	(xrf1) =	vsort.ascd.msk.f32 $0xffff, v8, v3;
	v8 =	vbroadcast v10, $0xF  }
0x291: {  	vm1 =	vge.f32 v16, v13;
	(xrf1) =	vsort.dscd.msk.f32 $0xffff, v18, v2;
	v10, v18, _ =	vpop (xrf1)  }
0x292: {  	(xrf1) =	vsort.ascd.msk.f32 $0xffff, v20, v3;
	v20 =	vsel vm1, v16, v13;
	v16 =	vsel vm1, v17, v19;
	v17, v19, _ =	vpop (xrf1);
	(erf) = vrcp.f32 v8  }
0x293: {  	vm1 =	vge.f32 v21, v6;
	(xrf1) =	vsort.dscd.msk.f32 $0xffff, v20, v16  }
0x294: {  	v20 =	vsel vm1, v21, v6;
	v21 =	vsel vm1, v22, v11;
	vm1 =	vge.f32 v10, v17;
	v8, v13, _ =	vpop (xrf1)  }
0x295: {  	v10 =	vsel vm1, v10, v17;
	v19 =	vsel vm1, v18, v19;
	(xrf1) =	vsort.ascd.msk.f32 $0xffff, v20, v21;
	v16, v6, _ =	vpop (xrf1)  }
0x296: {  	(xrf1) =	vsort.dscd.msk.f32 $0xffff, v10, v19;
	v10 =	vbroadcast v16, $0x0;
	v11 =	vpop (erf)  }
0x297: {  	v17, v18, _ =	vpop (xrf1);
	v11 =	vnsel vm0, $0x0, v11  }
0x298: {  	vm1 =	vge.f32 v7, v12;
	v19, v20, _ =	vpop (xrf1);
	v10 =	vsub.f32 v16, v10;
	(xrf2) =	vadd.scan.msk.f32 $0xffff, v11  }
0x299: {  	v7 =	vsel vm1, v7, v12;
	v16, v21, _ =	vpop (xrf1)  }
0x29a: {  	vm2 =	vge.f32 v8, v17;
	v22, v23, _ =	vpop (xrf1);
	v24 =	vmul.f32 $1.442695020e+00, v10  }
0x29b: {  	v15 =	vsel vm1, v14, v15;
	v17 =	vsel vm2, v8, v17;
	v14 =	vpop (erf)  }
0x29c: {  	v18 =	vsel vm2, v13, v18;
	(xrf1) =	vsort.dscd.msk.f32 $0xffff, v7, v15;
	v7, v12, _ =	vpop (xrf1);
	(erf) = vpow2.f32 v24;
	v9 =	vmul.f32 v14, v9  }
0x29d: {  	(xrf1) =	vsort.ascd.msk.f32 $0xffff, v17, v18;
	vm1 =	vge.f32 v22, v7;
	v8, v10, _ =	vpop (xrf1)  }
0x29e: {  	v13, v14, _ =	vpop (xrf1)  }
0x29f: {  	v17 =	vsel vm1, v22, v7;
	v12 =	vsel vm1, v23, v12;
	[tilespmem:s23+$0x18] =	vst.msk $0xff, v9;
	s23 =	smov.u32 s11;
	s11 =	smov.u32 s13;
	s13 =	smov.u32 s15;
	vm1 =	vge.f32 v8, v13  }
0x2a0: {  	vm2 =	vge.f32 v19, v16;
	s15 =	smov.u32 s17;
	s17 =	smov.u32 s29;
	s29 =	smov.u32 s1;
	[tilespmem:s24+$0x18] =	vst.msk $0xff, v5;
	v9, v15, _ =	vpop (xrf1);
	(xrf1) =	vsort.dscd.msk.f32 $0xffff, v17, v12;
	v14 =	vsel vm1, v10, v14  }
0x2a1: {  	s24 =	smov.u32 s12;
	s12 =	smov.u32 s14;
	s14 =	smov.u32 s16;
	v17 =	vsel vm1, v8, v13;
	v13 =	vsel vm2, v20, v21;
	v5, v7, _ =	vpop (xrf1)  }
0x2a2: {  	v16 =	vsel vm2, v19, v16;
	s16 =	smov.u32 s18;
	s18 =	smov.u32 s28;
	s28 =	smov.u32 s8;
	(xrf1) =	vsort.ascd.msk.f32 $0xffff, v17, v14;
	v8, v10, _ =	vpop (xrf1)  }
0x2a3: {  	vm1 =	vge.f32 v9, v5;
	(xrf1) =	vsort.dscd.msk.f32 $0xffff, v16, v13;
	v12, _, _ =	vpop (xrf2)  }
0x2a4: {  	v16 =	vsel vm1, v9, v5;
	v7 =	vsel vm1, v15, v7;
	v13, v14, _ =	vpop (xrf1);
	v12 =	vbroadcast v12, $0xF  }
0x2a5: {  	(xrf1) =	vsort.ascd.msk.f32 $0xffff, v16, v7;
	vm1 =	vge.f32 v8, v13;
	v5, v9, _ =	vpop (xrf1)  }
0x2a6: {  	v7 =	vsel vm1, v8, v13;
	v8 =	vsel vm1, v10, v14;
	v10 =	vpop (erf);
	(erf) = vrcp.f32 v12  }
0x2a7: {  	(xrf1) =	vsort.dscd.msk.f32 $0xffff, v7, v8;
	v7 =	vbroadcast v5, $0x0;
	v8 =	vnsel vm0, $0x0, v10  }
0x2a8: {  	(xrf2) =	vadd.scan.msk.f32 $0xffff, v8  }
0x2a9: {  	v5 =	vsub.f32 v5, v7;
	_ =	sdelay $0x1  }
0x2aa: {  	v7, v10, _ =	vpop (xrf1);
	v5 =	vmul.f32 $1.442695020e+00, v5  }
0x2ab: {  	v12, v13, _ =	vpop (xrf1)  }
0x2ac: {  	vm1 =	vge.f32 v7, v12;
	(erf) = vpow2.f32 v5  }
0x2ad: {  	v16 =	vsel vm1, v7, v12;
	v15 =	vsel vm1, v10, v13;
	v10, v12, _ =	vpop (xrf1)  }
0x2ae: {  	v5 =	vpop (erf)  }
0x2af: {  	(xrf1) =	vsort.dscd.msk.f32 $0xffff, v16, v15;
	v5 =	vmul.f32 v5, v11  }
0x2b0: {  	v7, v13, _ =	vpop (xrf1)  }
0x2b1: {  	v11, v14, _ =	vpop (xrf1);
	vm1 =	vge.f32 v10, v7  }
0x2b2: {  	v7 =	vsel vm1, v10, v7;
	v10 =	vsel vm1, v12, v13;
	v12, _, _ =	vpop (xrf2);
	[tilespmem:s23+$0x10] =	vst.msk $0xff, v5  }
0x2b3: {  	[tilespmem:s24+$0x10] =	vst.msk $0xff, v4;
	v5, v13, _ =	vpop (xrf1);
	(xrf1) =	vsort.dscd.msk.f32 $0xffff, v7, v10;
	v7 =	vbroadcast v12, $0xF  }
0x2b4: {  	s2 =	sor.u32 $0x50, s4;
	vm1 =	vge.f32 v11, v5;
	v4 =	vld [tilespmem:s25+$0xC0];
	s25 =	smov.u32 s21;
	s21 =	smov.u32 s20  }
0x2b5: {  	s20 =	smov.u32 s19;
	s19 =	smov.u32 s22;
	v10 =	vsel vm1, v11, v5;
	v13 =	vsel vm1, v14, v13;
	v12, v5, _ =	vpop (xrf1);
	(erf) = vrcp.f32 v7;
	v7 =	vld [tilespmem:s2+$0x0];
	s2 =	sor.u32 $0x60, s4  }
0x2b6: {  	(xrf1) =	vsort.dscd.msk.f32 $0xffff, v10, v13;
	v10 =	vbroadcast v12, $0x0  }
0x2b7: {  	v11 =	vpop (erf);
	v13 =	vld [tilespmem:s2+$0x0];
	s2 =	sor.u32 $0x70, s4;
	s4 =	smov.u32 s3;
	s3 =	smov.u32 s0  }
0x2b8: {  	s0 =	smov.u32 s31;
	s31 =	smov.u32 s30;
	s30 =	smov.u32 s9;
	v11 =	vnsel vm0, $0x0, v11;
	v14 =	vld [tilespmem:s2+$0x0];
	v10 =	vsub.f32 v12, v10  }
0x2b9: {  	s22 =	smov.u32 s26;
	s26 =	smov.u32 s6;
	(xrf2) =	vadd.scan.msk.f32 $0xffff, v11  }
0x2ba: {  	(xrf1) =	vsort.dscd.msk.f32 $0xffff, v4, v0;
	v4 =	vmul.f32 $1.442695020e+00, v10;
	_ =	sdelay $0x1  }
0x2bb: {  	(xrf1) =	vsort.ascd.msk.f32 $0xffff, v7, v1  }
0x2bc: {  	(xrf1) =	vsort.dscd.msk.f32 $0xffff, v13, v2  }
0x2bd: {  	(erf) = vpow2.f32 v4;
	(xrf1) =	vsort.ascd.msk.f32 $0xffff, v14, v3  }
0x2be: {  	v7, v4, _ =	vpop (xrf1)  }
0x2bf: {  	v10 =	vbroadcast v7, $0x0;
	v12 =	vpop (erf)  }
0x2c0: {  	v8 =	vmul.f32 v12, v8  }
0x2c1: {  	v13 =	vsub.f32 v7, v10  }
0x2c2: {  	v12, v7, _ =	vpop (xrf1);
	[tilespmem:s11+$0x8] =	vst.msk $0xff, v8  }
0x2c3: {  	v15 =	vmul.f32 $1.442695020e+00, v13;
	v10, _, _ =	vpop (xrf2);
	[tilespmem:s12+$0x8] =	vst.msk $0xff, v6  }
0x2c4: {  	v16 =	vbroadcast v12, $0x0;
	v14 =	vld [tilespmem:s25+$0x80]  }
0x2c5: {  	v10 =	vbroadcast v10, $0xF;
	(erf) = vpow2.f32 v15;
	v8, v6, _ =	vpop (xrf1);
	v15 =	vld [tilespmem:s25+$0x90]  }
0x2c6: {  	v21 =	vsub.f32 v12, v16;
	v13 =	vpop (erf);
	v16 =	vld [tilespmem:s25+$0xA0]  }
0x2c7: {  	v22 =	vbroadcast v8, $0x0;
	v13 =	vnsel vm0, $0x0, v13;
	(erf) = vrcp.f32 v10  }
0x2c8: {  	v10 =	vmul.f32 $1.442695020e+00, v21;
	(xrf2) =	vadd.scan.msk.f32 $0xffff, v13;
	v12, v18, _ =	vpop (xrf1)  }
0x2c9: {  	v8 =	vsub.f32 v8, v22;
	(xrf1) =	vsort.dscd.msk.f32 $0xffff, v14, v0;
	v14, v17, _ =	vpop (xrf1)  }
0x2ca: {  	(erf) = vpow2.f32 v10;
	v10 =	vld [tilespmem:s25+$0xB0];
	(xrf1) =	vsort.ascd.msk.f32 $0xffff, v15, v1;
	v15, v19, _ =	vpop (xrf1)  }
0x2cb: {  	v8 =	vmul.f32 $1.442695020e+00, v8;
	vm1 =	vge.f32 v12, v14;
	(xrf1) =	vsort.dscd.msk.f32 $0xffff, v16, v2;
	v16, v20, _ =	vpop (xrf1)  }
0x2cc: {  	v21 =	vsel vm1, v12, v14;
	v14 =	vsel vm1, v18, v17;
	vm1 =	vge.f32 v15, v16  }
0x2cd: {  	(erf) = vpow2.f32 v8;
	v8 =	vsel vm1, v15, v16;
	v15 =	vsel vm1, v19, v20;
	(xrf1) =	vsort.dscd.msk.f32 $0xffff, v21, v14  }
0x2ce: {  	v12 =	vpop (erf);
	(xrf1) =	vsort.ascd.msk.f32 $0xffff, v8, v15  }
0x2cf: {  	v8 =	vnsel vm0, $0x0, v12;
	(xrf1) =	vsort.ascd.msk.f32 $0xffff, v10, v3  }
0x2d0: {  	(xrf2) =	vadd.scan.msk.f32 $0xffff, v8;
	v10 =	vpop (erf)  }
0x2d1: {  	v10 =	vmul.f32 v10, v11  }
0x2d2: {  	v11, _, _ =	vpop (xrf2)  }
0x2d3: {  	v12 =	vpop (erf);
	[tilespmem:s13+$0x0] =	vst.msk $0xff, v10  }
0x2d4: {  	s2 =	sadd.s32 $0xFFFFFF80, s3;
	v12 =	vnsel vm0, $0x0, v12;
	[tilespmem:s14+$0x0] =	vst.msk $0xff, v9  }
0x2d5: {  	s7 =	sor.u32 $0x50, s2;
	v9 =	vbroadcast v11, $0xF;
	(xrf2) =	vadd.scan.msk.f32 $0xffff, v12;
	v10 =	vld [tilespmem:s21+$0x40]  }
0x2d6: {  	v11 =	vpop (erf);
	v14 =	vld [tilespmem:s7+$0x0];
	s7 =	sor.u32 $0x60, s2  }
0x2d7: {  	s2 =	sor.u32 $0x70, s2;
	(erf) = vrcp.f32 v9;
	v15 =	vld [tilespmem:s7+$0x0];
	v16, v17, _ =	vpop (xrf1)  }
0x2d8: {  	v9 =	vnsel vm0, $0x0, v11;
	v11 =	vld [tilespmem:s2+$0x0];
	v18, v19, _ =	vpop (xrf1)  }
0x2d9: {  	(xrf2) =	vadd.scan.msk.f32 $0xffff, v9;
	v20, v21, _ =	vpop (xrf1)  }
0x2da: {  	v22, _, _ =	vpop (xrf2);
	(xrf1) =	vsort.dscd.msk.f32 $0xffff, v10, v0  }
0x2db: {  	(xrf1) =	vsort.ascd.msk.f32 $0xffff, v14, v1;
	v10, v14, _ =	vpop (xrf1)  }
0x2dc: {  	(xrf1) =	vsort.dscd.msk.f32 $0xffff, v15, v2;
	v15, v23, _ =	vpop (xrf1)  }
0x2dd: {  	vm1 =	vge.f32 v16, v18;
	(xrf1) =	vsort.ascd.msk.f32 $0xffff, v11, v3;
	v11, v24, _ =	vpop (xrf1);
	vm2 =	vge.f32 v10, v15  }
0x2de: {  	vm3 =	vge.f32 v20, v11;
	v25 =	vsel vm2, v10, v15;
	v14 =	vsel vm2, v14, v23  }
0x2df: {  	v16 =	vsel vm1, v16, v18;
	v17 =	vsel vm1, v17, v19;
	v15, _, _ =	vpop (xrf2);
	(xrf1) =	vsort.dscd.msk.f32 $0xffff, v25, v14  }
0x2e0: {  	v11 =	vsel vm3, v20, v11;
	v14 =	vsel vm3, v21, v24;
	v10 =	vpop (erf);
	(xrf1) =	vsort.dscd.msk.f32 $0xffff, v16, v17  }
0x2e1: {  	v15 =	vbroadcast v15, $0xF;
	v10 =	vmul.f32 v10, v13;
	(xrf1) =	vsort.ascd.msk.f32 $0xffff, v11, v14  }
0x2e2: {  	s5 =	sadd.s32 $0x8, s5  }
0x2e3: {  	p0 =	slt.u32 s5, $0x3F8;
	v11, _, _ =	vpop (xrf2);
	(erf) = vrcp.f32 v15;
	[tilespmem:s15+$0xFFFFFFF8] =	vst.msk $0xff, v10  }
0x2e4: {  	[tilespmem:s16+$0xFFFFFFF8] =	vst.msk $0xff, v5  }
0x2e5: {  	v5 =	vld [tilespmem:s20+$0x0]  }
0x2e6: {  	v10 =	vld [tilespmem:s20+$0x10]  }
0x2e7: {  	v13 =	vld [tilespmem:s20+$0x20]  }
0x2e8: {  	v14 =	vld [tilespmem:s20+$0x30];
	v15, v16, _ =	vpop (xrf1)  }
0x2e9: {  	v17, v18, _ =	vpop (xrf1)  }
0x2ea: {  	v19 =	vbroadcast v22, $0xF;
	(xrf1) =	vsort.dscd.msk.f32 $0xffff, v5, v0;
	v20, v21, _ =	vpop (xrf1)  }
.Ltmp0:
0x2eb: {  	v24 =	vbroadcast v11, $0xF;
	(xrf1) =	vsort.ascd.msk.f32 $0xffff, v10, v1;
	v22, v23, _ =	vpop (xrf1);
	(pc) =	sbr.rel @p0 .LBB2_2-.Ltmp0, $4  }
0x2ec: {  	vm1 =	vge.f32 v15, v17;
	(erf) = vrcp.f32 v19;
	v11 =	vpop (erf);
	(xrf1) =	vsort.dscd.msk.f32 $0xffff, v13, v2  }
0x2ed: {  	v19 =	vsel vm1, v15, v17;
	v15 =	vsel vm1, v16, v18;
	(erf) = vrcp.f32 v24;
	(xrf1) =	vsort.ascd.msk.f32 $0xffff, v14, v3;
	v10, v5, _ =	vpop (xrf1)  }
0x2ee: {  	vm1 =	vge.f32 v20, v22;
	v13 =	vmul.f32 v11, v12;
	(xrf1) =	vsort.dscd.msk.f32 $0xffff, v19, v15;
	v12, v11, _ =	vpop (xrf1);
	v15 =	vbroadcast v10, $0x0  }
0x2ef: {  	s6 =	sadd.s32 $0x200, s6;
	v17 =	vsel vm1, v20, v22;
	v18 =	vsel vm1, v21, v23;
	v16, v14, _ =	vpop (xrf1)  }
0x2f0: {  	_ =	sdelay $0x1  }
0x2f1: {  	(xrf1) =	vsort.ascd.msk.f32 $0xffff, v17, v18;
	vm1 =	vge.f32 v12, v16;
	v10 =	vsub.f32 v10, v15  }
0x2f2: {  	[tilespmem:s17+$0xFFFFFFF0] =	vst.msk $0xff, v13;
	v26 =	vsel vm1, v12, v16;
	v11 =	vsel vm1, v11, v14  }
0x2f3: {  	s2 =	sadd.s32 $0xFFFFFF00, s31;
	[tilespmem:s18+$0xFFFFFFF0] =	vst.msk $0xff, v7;
	(xrf1) =	vsort.dscd.msk.f32 $0xffff, v26, v11;
	v28 =	vmul.f32 $1.442695020e+00, v10  }
0x2f4: {  	s5 =	sor.u32 $0x50, s2;
	v27 =	vld [tilespmem:s19+$0xFFFFFFC0]  }
0x2f5: {  	v29 =	vld [tilespmem:s5+$0x0];
	(erf) = vpow2.f32 v28  }
0x2f6: {  	s6 =	sor.u32 $0x60, s2;
	v32 =	vpop (erf)  }
0x2f7: {  	s2 =	sor.u32 $0x70, s2;
	v30 =	vld [tilespmem:s6+$0x0];
	v35, v34, _ =	vpop (xrf1)  }
0x2f8: {  	v31 =	vld [tilespmem:s2+$0x0];
	v37, v36, _ =	vpop (xrf1)  }
0x2f9: {  	(xrf1) =	vsort.dscd.msk.f32 $0xffff, v27, v0;
	v39, v38, _ =	vpop (xrf1)  }
0x2fa: {  	v8 =	vmul.f32 v32, v8;
	(xrf1) =	vsort.ascd.msk.f32 $0xffff, v29, v1;
	vm1 =	vge.f32 v35, v37;
	v40, v41, _ =	vpop (xrf1)  }
0x2fb: {  	v10 =	vsel vm1, v35, v37;
	v42 =	vsel vm1, v34, v36;
	vm1 =	vge.f32 v39, v40  }
0x2fc: {  	s1 =	sadd.s32 $0x40, s1;
	v33 =	vpop (erf);
	(xrf1) =	vsort.dscd.msk.f32 $0xffff, v30, v2;
	v7 =	vsel vm1, v39, v40  }
0x2fd: {  	s9 =	sadd.s32 $0x200, s9;
	s8 =	sadd.s32 $0x40, s8;
	v9 =	vmul.f32 v33, v9;
	[tilespmem:s1+$0xFFFFFFE0] =	vst.msk $0xff, v8;
	(xrf1) =	vsort.ascd.msk.f32 $0xffff, v31, v3;
	v12, v15, _ =	vpop (xrf1)  }
0x2fe: {  	s2 =	sadd.s32 $0xFFFFFE80, s9;
	[tilespmem:s8+$0xFFFFFFE0] =	vst.msk $0xff, v4;
	(xrf1) =	vsort.dscd.msk.f32 $0xffff, v10, v42;
	v43 =	vsel vm1, v38, v41;
	v44 =	vpop (erf)  }
0x2ff: {  	s7 =	sor.u32 $0x50, s2;
	[tilespmem:s29+$0xFFFFFFE8] =	vst.msk $0xff, v9;
	v45 =	vld [tilespmem:s26+$0xFFFFFF40];
	(xrf1) =	vsort.ascd.msk.f32 $0xffff, v7, v43;
	v7, v8, _ =	vpop (xrf1)  }
0x300: {  	v46 =	vld [tilespmem:s7+$0x0];
	[tilespmem:s28+$0xFFFFFFE8] =	vst.msk $0xff, v6;
	v4 =	vnsel vm0, $0x0, v44;
	vm1 =	vge.f32 v12, v7  }
0x301: {  	v50 =	vld [tilespmem:s22+$0xFFFFFF80];
	(xrf2) =	vadd.scan.msk.f32 $0xffff, v4;
	v49, v11, _ =	vpop (xrf1);
	v47 =	vsel vm1, v12, v7;
	v48 =	vsel vm1, v15, v8  }
0x302: {  	v52 =	vld [tilespmem:s22+$0xFFFFFF90];
	v51 =	vbroadcast v49, $0x0;
	(xrf1) =	vsort.dscd.msk.f32 $0xffff, v47, v48;
	_ =	sdelay $0x1  }
0x303: {  	v53 =	vld [tilespmem:s22+$0xFFFFFFA0];
	v6 =	vsub.f32 v49, v51;
	(xrf1) =	vsort.dscd.msk.f32 $0xffff, v45, v0  }
0x304: {  	(xrf1) =	vsort.ascd.msk.f32 $0xffff, v46, v1  }
0x305: {  	s6 =	sor.u32 $0x60, s2;
	v54 =	vld [tilespmem:s22+$0xFFFFFFB0];
	v6 =	vmul.f32 $1.442695020e+00, v6;
	(xrf1) =	vsort.dscd.msk.f32 $0xffff, v50, v0  }
0x306: {  	s2 =	sor.u32 $0x70, s2;
	v55 =	vld [tilespmem:s6+$0x0];
	v57, v58, _ =	vpop (xrf1);
	(xrf1) =	vsort.ascd.msk.f32 $0xffff, v52, v1  }
0x307: {  	v56 =	vld [tilespmem:s2+$0x0];
	(erf) = vpow2.f32 v6  }
0x308: {  	v60, v59, _ =	vpop (xrf1);
	(xrf1) =	vsort.dscd.msk.f32 $0xffff, v53, v2  }
0x309: {  	v63, v62, _ =	vpop (xrf1)  }
0x30a: {  	v22, v21, _ =	vpop (xrf1);
	(xrf1) =	vsort.ascd.msk.f32 $0xffff, v54, v3  }
0x30b: {  	vm1 =	vge.f32 v57, v60;
	v61, _, _ =	vpop (xrf2);
	(xrf1) =	vsort.dscd.msk.f32 $0xffff, v55, v2  }
0x30c: {  	v6 =	vsel vm1, v57, v60;
	v25 =	vsel vm1, v58, v59;
	v7 =	vbroadcast v61, $0xF;
	(xrf1) =	vsort.ascd.msk.f32 $0xffff, v56, v3  }
0x30d: {  	vm1 =	vge.f32 v63, v22;
	v24, v23, _ =	vpop (xrf1);
	(xrf1) =	vsort.dscd.msk.f32 $0xffff, v6, v25  }
0x30e: {  	v28 =	vsel vm1, v63, v22;
	v29 =	vsel vm1, v62, v21;
	(erf) = vrcp.f32 v7;
	v27, v26, _ =	vpop (xrf1)  }
0x30f: {  	vm1 =	vge.f32 v24, v27;
	(xrf1) =	vsort.ascd.msk.f32 $0xffff, v28, v29;
	v32, v9, _ =	vpop (xrf1)  }
0x310: {  	v30 =	vsel vm1, v24, v27;
	v31 =	vsel vm1, v23, v26;
	v34 =	vpop (erf)  }
0x311: {  	(xrf1) =	vsort.dscd.msk.f32 $0xffff, v30, v31;
	v33 =	vbroadcast v32, $0x0;
	v7 =	vnsel vm0, $0x0, v34;
	v36, v35, _ =	vpop (xrf1)  }
0x312: {  	(xrf2) =	vadd.scan.msk.f32 $0xffff, v7;
	v38, v37, _ =	vpop (xrf1)  }
0x313: {  	v6 =	vsub.f32 v32, v33;
	v14, v15, _ =	vpop (xrf1)  }
0x314: {  	v40, v41, _ =	vpop (xrf1)  }
0x315: {  	v39 =	vmul.f32 $1.442695020e+00, v6;
	vm1 =	vge.f32 v14, v40  }
0x316: {  	v42, v19, _ =	vpop (xrf1);
	v15 =	vsel vm1, v15, v41  }
0x317: {  	v14 =	vsel vm1, v14, v40;
	v6 =	vpop (erf);
	(erf) = vpow2.f32 v39  }
0x318: {  	v43, v44, _ =	vpop (xrf1)  }
0x319: {  	vm2 =	vge.f32 v36, v38;
	v20, v21, _ =	vpop (xrf1);
	vm1 =	vge.f32 v42, v43;
	(xrf1) =	vsort.dscd.msk.f32 $0xffff, v14, v15  }
0x31a: {  	v8 =	vsel vm2, v36, v38;
	v16 =	vsel vm1, v42, v43;
	v45 =	vsel vm1, v19, v44;
	v14, v15, _ =	vpop (xrf1)  }
0x31b: {  	v46 =	vsel vm2, v35, v37;
	(xrf1) =	vsort.ascd.msk.f32 $0xffff, v16, v45;
	v12, v13, _ =	vpop (xrf1);
	vm1 =	vge.f32 v20, v14  }
0x31c: {  	(xrf1) =	vsort.dscd.msk.f32 $0xffff, v8, v46;
	v47, _, _ =	vpop (xrf2);
	v48 =	vsel vm1, v20, v14;
	v49 =	vsel vm1, v21, v15  }
0x31d: {  	v51, v50, _ =	vpop (xrf1);
	v8 =	vbroadcast v47, $0xF;
	(xrf1) =	vsort.ascd.msk.f32 $0xffff, v48, v49  }
0x31e: {  	vm1 =	vge.f32 v12, v51  }
0x31f: {  	v10, v14, _ =	vpop (xrf1);
	v12 =	vsel vm1, v12, v51;
	v13 =	vsel vm1, v13, v50;
	(erf) = vrcp.f32 v8  }
0x320: {  	(xrf1) =	vsort.dscd.msk.f32 $0xffff, v12, v13;
	v53 =	vbroadcast v10, $0x0;
	v52 =	vpop (erf)  }
0x321: {  	v54 =	vnsel vm0, $0x0, v52  }
0x322: {  	v8 =	vsub.f32 v10, v53;
	(xrf2) =	vadd.scan.msk.f32 $0xffff, v54;
	_ =	sdelay $0x1  }
0x323: {  	v8 =	vmul.f32 $1.442695020e+00, v8;
	_ =	sdelay $0x1  }
0x324: {  	(erf) = vpow2.f32 v8  }
0x325: {  	v56, v55, _ =	vpop (xrf1)  }
0x326: {  	v57 =	vpop (erf)  }
0x327: {  	v59, v58, _ =	vpop (xrf1);
	v7 =	vmul.f32 v57, v7  }
0x328: {  	v61, v60, _ =	vpop (xrf1)  }
0x329: {  	vm1 =	vge.f32 v56, v59;
	[tilespmem:s11+$0x10] =	vst.msk $0xff, v7;
	v22, v21, _ =	vpop (xrf1)  }
0x32a: {  	v63 =	vsel vm1, v56, v59;
	v20 =	vsel vm1, v55, v58;
	v62, _, _ =	vpop (xrf2);
	[tilespmem:s12+$0x10] =	vst.msk $0xff, v11  }
0x32b: {  	s7 =	sor.u32 $0x50, s4;
	(xrf1) =	vsort.dscd.msk.f32 $0xffff, v63, v20;
	vm1 =	vge.f32 v61, v22;
	v23 =	vbroadcast v62, $0xF;
	v24 =	vld [tilespmem:s25+$0xC0]  }
0x32c: {  	v25 =	vsel vm1, v61, v22;
	v27, v13, _ =	vpop (xrf1);
	v28 =	vld [tilespmem:s7+$0x0];
	s25 =	sor.u32 $0x60, s4  }
0x32d: {  	v26 =	vsel vm1, v60, v21;
	s4 =	sor.u32 $0x70, s4;
	v29 =	vbroadcast v27, $0x0;
	v30 =	vpop (erf);
	v31 =	vld [tilespmem:s25+$0x0];
	(erf) = vrcp.f32 v23  }
0x32e: {  	(xrf1) =	vsort.dscd.msk.f32 $0xffff, v25, v26;
	v32 =	vld [tilespmem:s4+$0x0];
	v10 =	vnsel vm0, $0x0, v30  }
0x32f: {  	v8 =	vsub.f32 v27, v29;
	(xrf2) =	vadd.scan.msk.f32 $0xffff, v10  }
0x330: {  	(xrf1) =	vsort.dscd.msk.f32 $0xffff, v24, v0  }
0x331: {  	v33 =	vmul.f32 $1.442695020e+00, v8;
	(xrf1) =	vsort.ascd.msk.f32 $0xffff, v28, v1  }
0x332: {  	(xrf1) =	vsort.dscd.msk.f32 $0xffff, v31, v2  }
0x333: {  	(erf) = vpow2.f32 v33;
	(xrf1) =	vsort.ascd.msk.f32 $0xffff, v32, v3;
	_ =	sdelay $0x2  }
0x334: {  	v34 =	vpop (erf)  }
0x335: {  	v7 =	vmul.f32 v34, v54;
	_ =	sdelay $0x1  }
0x336: {  	v35, v11, _ =	vpop (xrf1);
	[tilespmem:s13+$0x8] =	vst.msk $0xff, v7  }
0x337: {  	v36, _, _ =	vpop (xrf2);
	v37 =	vbroadcast v35, $0x0;
	[tilespmem:s14+$0x8] =	vst.msk $0xff, v9  }
0x338: {  	v9 =	vbroadcast v36, $0xF;
	v38 =	vld [tilespmem:s21+$0x80]  }
0x339: {  	v8 =	vsub.f32 v35, v37;
	v40 =	vld [tilespmem:s21+$0x90];
	v41 =	vpop (erf)  }
0x33a: {  	v42 =	vld [tilespmem:s21+$0xA0];
	v39, v7, _ =	vpop (xrf1);
	(erf) = vrcp.f32 v9  }
0x33b: {  	v12 =	vnsel vm0, $0x0, v41;
	v8 =	vmul.f32 $1.442695020e+00, v8;
	v43 =	vbroadcast v39, $0x0;
	v45, v44, _ =	vpop (xrf1)  }
0x33c: {  	(xrf2) =	vadd.scan.msk.f32 $0xffff, v12;
	v47, v46, _ =	vpop (xrf1)  }
0x33d: {  	(erf) = vpow2.f32 v8;
	v16 =	vsub.f32 v39, v43;
	(xrf1) =	vsort.dscd.msk.f32 $0xffff, v38, v0;
	v50, v49, _ =	vpop (xrf1);
	vm1 =	vge.f32 v45, v47  }
0x33e: {  	v48 =	vld [tilespmem:s21+$0xB0];
	(xrf1) =	vsort.ascd.msk.f32 $0xffff, v40, v1;
	v51, v22, _ =	vpop (xrf1);
	v9 =	vsel vm1, v45, v47  }
0x33f: {  	v16 =	vmul.f32 $1.442695020e+00, v16;
	v52 =	vsel vm1, v44, v46;
	(xrf1) =	vsort.dscd.msk.f32 $0xffff, v42, v2;
	vm1 =	vge.f32 v50, v51  }
0x340: {  	v17 =	vsel vm1, v50, v51;
	v53 =	vsel vm1, v49, v22;
	(xrf1) =	vsort.dscd.msk.f32 $0xffff, v9, v52  }
0x341: {  	(erf) = vpow2.f32 v16;
	(xrf1) =	vsort.ascd.msk.f32 $0xffff, v17, v53;
	_ =	sdelay $0x1  }
0x342: {  	(xrf1) =	vsort.ascd.msk.f32 $0xffff, v48, v3;
	v54 =	vpop (erf)  }
0x343: {  	v8 =	vmul.f32 v54, v10;
	_ =	sdelay $0x1  }
0x344: {  	v55 =	vpop (erf);
	[tilespmem:s15+$0x0] =	vst.msk $0xff, v8  }
0x345: {  	s5 =	sadd.s32 $0xFFFFFF80, s0;
	v9 =	vnsel vm0, $0x0, v55;
	[tilespmem:s16+$0x0] =	vst.msk $0xff, v14  }
0x346: {  	s6 =	sor.u32 $0x50, s5;
	v56, _, _ =	vpop (xrf2);
	(xrf2) =	vadd.scan.msk.f32 $0xffff, v9;
	v57 =	vld [tilespmem:s20+$0x40]  }
0x347: {  	s7 =	sor.u32 $0x60, s5;
	v8 =	vbroadcast v56, $0xF;
	v14 =	vld [tilespmem:s6+$0x0]  }
0x348: {  	v58 =	vld [tilespmem:s7+$0x0];
	v16 =	vpop (erf)  }
0x349: {  	s2 =	sor.u32 $0x70, s5;
	(erf) = vrcp.f32 v8;
	v17, v18, _ =	vpop (xrf1)  }
0x34a: {  	v59 =	vld [tilespmem:s2+$0x0];
	v19, v20, _ =	vpop (xrf1)  }
0x34b: {  	(xrf1) =	vsort.dscd.msk.f32 $0xffff, v57, v0;
	v21, v22, _ =	vpop (xrf1)  }
0x34c: {  	(xrf1) =	vsort.ascd.msk.f32 $0xffff, v14, v1;
	v60, v61, _ =	vpop (xrf1)  }
0x34d: {  	v16 =	vnsel vm0, $0x0, v16;
	vm1 =	vge.f32 v17, v19;
	(xrf1) =	vsort.dscd.msk.f32 $0xffff, v58, v2;
	v62, v23, _ =	vpop (xrf1)  }
0x34e: {  	(xrf2) =	vadd.scan.msk.f32 $0xffff, v16;
	v17 =	vsel vm1, v17, v19;
	vm2 =	vge.f32 v60, v62  }
0x34f: {  	(xrf1) =	vsort.ascd.msk.f32 $0xffff, v59, v3;
	v63, v24, _ =	vpop (xrf1);
	v10 =	vsel vm2, v60, v62;
	v14 =	vsel vm2, v61, v23  }
0x350: {  	v18 =	vsel vm1, v18, v20;
	v27, _, _ =	vpop (xrf2);
	vm3 =	vge.f32 v21, v63;
	(xrf1) =	vsort.dscd.msk.f32 $0xffff, v10, v14  }
0x351: {  	v15 =	vbroadcast v27, $0xF;
	v8 =	vsel vm3, v21, v63;
	v29 =	vsel vm3, v22, v24;
	(xrf1) =	vsort.dscd.msk.f32 $0xffff, v17, v18  }
0x352: {  	v28 =	vpop (erf);
	(xrf1) =	vsort.ascd.msk.f32 $0xffff, v8, v29  }
0x353: {  	v10 =	vmul.f32 v28, v12;
	(erf) = vrcp.f32 v15;
	_ =	sdelay $0x1  }
0x354: {  	[tilespmem:s17+$0xFFFFFFF8] =	vst.msk $0xff, v10  }
0x355: {  	[tilespmem:s18+$0xFFFFFFF8] =	vst.msk $0xff, v13  }
0x356: {  	v30 =	vld [tilespmem:s19+$0x0]  }
0x357: {  	v31, _, _ =	vpop (xrf2);
	v10 =	vld [tilespmem:s19+$0x10]  }
0x358: {  	v4 =	vmul.f32 v6, v4;
	v13 =	vld [tilespmem:s19+$0x20];
	v34, v33, _ =	vpop (xrf1)  }
0x359: {  	v32 =	vld [tilespmem:s19+$0x30];
	v36, v35, _ =	vpop (xrf1)  }
0x35a: {  	v38, v37, _ =	vpop (xrf1)  }
0x35b: {  	(xrf1) =	vsort.dscd.msk.f32 $0xffff, v30, v0;
	v41 =	vpop (erf)  }
0x35c: {  	(xrf1) =	vsort.ascd.msk.f32 $0xffff, v10, v1;
	v39, v40, _ =	vpop (xrf1)  }
0x35d: {  	[tilespmem:s23+$0x18] =	vst.msk $0xff, v4;
	v12 =	vbroadcast v31, $0xF;
	vm1 =	vge.f32 v34, v36;
	(xrf1) =	vsort.dscd.msk.f32 $0xffff, v13, v2;
	v43, v4, _ =	vpop (xrf1)  }
0x35e: {  	[tilespmem:s24+$0x18] =	vst.msk $0xff, v5;
	v42 =	vsel vm1, v34, v36;
	v5 =	vsel vm1, v33, v35;
	(xrf1) =	vsort.ascd.msk.f32 $0xffff, v32, v3;
	v44, v45, _ =	vpop (xrf1)  }
0x35f: {  	(erf) = vrcp.f32 v12;
	vm1 =	vge.f32 v38, v39;
	(xrf1) =	vsort.dscd.msk.f32 $0xffff, v42, v5;
	v47, v48, _ =	vpop (xrf1)  }
0x360: {  	v5 =	vsel vm1, v38, v39;
	v46 =	vsel vm1, v37, v40;
	vm1 =	vge.f32 v44, v47  }
0x361: {  	(xrf1) =	vsort.ascd.msk.f32 $0xffff, v5, v46;
	v5 =	vsel vm1, v44, v47;
	v49 =	vsel vm1, v45, v48  }
0x362: {  	(xrf1) =	vsort.dscd.msk.f32 $0xffff, v5, v49;
	v5 =	vbroadcast v43, $0x0  }
0x363: {  	v9 =	vmul.f32 v41, v9  }
0x364: {  	v5 =	vsub.f32 v43, v5  }
0x365: {  	[tilespmem:s29+$0xFFFFFFF0] =	vst.msk $0xff, v9  }
0x366: {  	s24 =	sadd.s32 $0xFFFFFF00, s30;
	[tilespmem:s28+$0xFFFFFFF0] =	vst.msk $0xff, v11;
	v5 =	vmul.f32 $1.442695020e+00, v5  }
0x367: {  	s25 =	sor.u32 $0x50, s24;
	v50 =	vld [tilespmem:s22+$0xFFFFFFC0]  }
0x368: {  	s5 =	sor.u32 $0x60, s24;
	v51 =	vld [tilespmem:s25+$0x0]  }
0x369: {  	s2 =	sor.u32 $0x70, s24;
	v52 =	vld [tilespmem:s5+$0x0];
	v54 =	vpop (erf)  }
0x36a: {  	v53 =	vld [tilespmem:s2+$0x0];
	(erf) = vpow2.f32 v5;
	v5, v55, _ =	vpop (xrf1)  }
0x36b: {  	v57, v56, _ =	vpop (xrf1)  }
0x36c: {  	(xrf1) =	vsort.dscd.msk.f32 $0xffff, v50, v0;
	v59, v58, _ =	vpop (xrf1);
	vm1 =	vge.f32 v5, v57  }
0x36d: {  	(xrf1) =	vsort.ascd.msk.f32 $0xffff, v51, v1;
	v61, v60, _ =	vpop (xrf1);
	v6 =	vsel vm1, v55, v56  }
0x36e: {  	(xrf1) =	vsort.dscd.msk.f32 $0xffff, v52, v2;
	v5 =	vsel vm1, v5, v57;
	vm1 =	vge.f32 v59, v61  }
0x36f: {  	(xrf1) =	vsort.ascd.msk.f32 $0xffff, v53, v3;
	v9 =	vsel vm1, v59, v61  }
0x370: {  	v11 =	vmul.f32 v54, v16;
	v62, v63, _ =	vpop (xrf1)  }
0x371: {  	(xrf1) =	vsort.dscd.msk.f32 $0xffff, v5, v6;
	v15 =	vsel vm1, v58, v60;
	v5, v6, _ =	vpop (xrf1)  }
0x372: {  	[tilespmem:s1+$0xFFFFFFE8] =	vst.msk $0xff, v11;
	(xrf1) =	vsort.ascd.msk.f32 $0xffff, v9, v15;
	vm1 =	vge.f32 v62, v5  }
0x373: {  	[tilespmem:s8+$0xFFFFFFE8] =	vst.msk $0xff, v7;
	v5 =	vsel vm1, v62, v5;
	v6 =	vsel vm1, v63, v6;
	v16, v9, _ =	vpop (xrf1)  }
0x374: {  	v7 =	vld [tilespmem:s26+$0xFFFFFF80];
	(xrf1) =	vsort.dscd.msk.f32 $0xffff, v5, v6;
	v17 =	vbroadcast v16, $0x0;
	_ =	sdelay $0x1  }
0x375: {  	v18 =	vld [tilespmem:s26+$0xFFFFFF90];
	v6 =	vsub.f32 v16, v17  }
0x376: {  	v19 =	vld [tilespmem:s26+$0xFFFFFFA0]  }
0x377: {  	v11 =	vld [tilespmem:s26+$0xFFFFFFB0];
	v5 =	vpop (erf);
	v6 =	vmul.f32 $1.442695020e+00, v6  }
0x378: {  	(xrf1) =	vsort.dscd.msk.f32 $0xffff, v7, v0;
	v5 =	vnsel vm0, $0x0, v5  }
0x379: {  	v21, v20, _ =	vpop (xrf1);
	(xrf2) =	vadd.scan.msk.f32 $0xffff, v5;
	(erf) = vpow2.f32 v6  }
0x37a: {  	v23, v22, _ =	vpop (xrf1);
	(xrf1) =	vsort.ascd.msk.f32 $0xffff, v18, v1  }
0x37b: {  	v25, v24, _ =	vpop (xrf1);
	(xrf1) =	vsort.dscd.msk.f32 $0xffff, v19, v2  }
0x37c: {  	vm1 =	vge.f32 v21, v23;
	v27, v26, _ =	vpop (xrf1);
	(xrf1) =	vsort.ascd.msk.f32 $0xffff, v11, v3  }
0x37d: {  	v6 =	vsel vm1, v21, v23;
	v30 =	vsel vm1, v20, v22;
	vm1 =	vge.f32 v25, v27  }
0x37e: {  	v29, v28, _ =	vpop (xrf1);
	(xrf1) =	vsort.dscd.msk.f32 $0xffff, v6, v30;
	v32 =	vsel vm1, v25, v27;
	v33 =	vsel vm1, v24, v26  }
0x37f: {  	v12, v13, _ =	vpop (xrf1);
	(xrf1) =	vsort.ascd.msk.f32 $0xffff, v32, v33  }
0x380: {  	vm1 =	vge.f32 v29, v12  }
0x381: {  	v34 =	vsel vm1, v29, v12;
	v35 =	vsel vm1, v28, v13;
	v36, v37, _ =	vpop (xrf1)  }
0x382: {  	(xrf1) =	vsort.dscd.msk.f32 $0xffff, v34, v35;
	v38 =	vbroadcast v36, $0x0;
	v39 =	vpop (erf)  }
0x383: {  	v31, _, _ =	vpop (xrf2);
	v8 =	vnsel vm0, $0x0, v39  }
0x384: {  	v6 =	vbroadcast v31, $0xF;
	v40 =	vsub.f32 v36, v38;
	(xrf2) =	vadd.scan.msk.f32 $0xffff, v8;
	_ =	sdelay $0x1  }
0x385: {  	(erf) = vrcp.f32 v6;
	v6 =	vmul.f32 $1.442695020e+00, v40;
	_ =	sdelay $0x1  }
0x386: {  	v7, v10, _ =	vpop (xrf1);
	(erf) = vpow2.f32 v6  }
0x387: {  	v41, v42, _ =	vpop (xrf1)  }
0x388: {  	v14, v15, _ =	vpop (xrf1)  }
0x389: {  	v44, v43, _ =	vpop (xrf1)  }
0x38a: {  	vm1 =	vge.f32 v7, v41;
	v47, v48, _ =	vpop (xrf1)  }
0x38b: {  	v7 =	vsel vm1, v7, v41;
	v10 =	vsel vm1, v10, v42;
	v51, v50, _ =	vpop (xrf1)  }
0x38c: {  	vm1 =	vge.f32 v14, v44;
	(xrf1) =	vsort.dscd.msk.f32 $0xffff, v7, v10;
	v49, _, _ =	vpop (xrf2)  }
0x38d: {  	v45 =	vsel vm1, v14, v44;
	v46 =	vsel vm1, v15, v43;
	v6 =	vpop (erf);
	v7 =	vbroadcast v49, $0xF  }
0x38e: {  	(xrf1) =	vsort.ascd.msk.f32 $0xffff, v45, v46;
	vm1 =	vge.f32 v47, v51;
	v53, v52, _ =	vpop (xrf1)  }
0x38f: {  	v10 =	vsel vm1, v47, v51;
	v54 =	vsel vm1, v48, v50;
	v55 =	vpop (erf);
	(erf) = vrcp.f32 v7  }
0x390: {  	(xrf1) =	vsort.dscd.msk.f32 $0xffff, v10, v54;
	v56 =	vbroadcast v53, $0x0;
	v57 =	vnsel vm0, $0x0, v55  }
0x391: {  	(xrf2) =	vadd.scan.msk.f32 $0xffff, v57  }
0x392: {  	v7 =	vsub.f32 v53, v56;
	_ =	sdelay $0x1  }
0x393: {  	v7 =	vmul.f32 $1.442695020e+00, v7;
	_ =	sdelay $0x1  }
0x394: {  	(erf) = vpow2.f32 v7;
	_ =	sdelay $0x1  }
0x395: {  	v58 =	vpop (erf)  }
0x396: {  	v7 =	vmul.f32 v58, v8  }
0x397: {  	v59, v60, _ =	vpop (xrf1)  }
0x398: {  	v63, _, _ =	vpop (xrf2);
	[tilespmem:s13+$0x10] =	vst.msk $0xff, v7  }
0x399: {  	v62, v61, _ =	vpop (xrf1);
	v20 =	vbroadcast v63, $0xF;
	[tilespmem:s14+$0x10] =	vst.msk $0xff, v9  }
0x39a: {  	s6 =	sor.u32 $0x50, s3;
	vm1 =	vge.f32 v59, v62;
	v21 =	vld [tilespmem:s21+$0xC0]  }
0x39b: {  	s7 =	sor.u32 $0x60, s3;
	v18 =	vsel vm1, v59, v62;
	v19 =	vsel vm1, v60, v61;
	v22, v9, _ =	vpop (xrf1);
	v23 =	vld [tilespmem:s6+$0x0];
	(erf) = vrcp.f32 v20  }
0x39c: {  	(xrf1) =	vsort.dscd.msk.f32 $0xffff, v18, v19;
	v25 =	vpop (erf);
	v24 =	vbroadcast v22, $0x0;
	v26 =	vld [tilespmem:s7+$0x0];
	s21 =	sor.u32 $0x70, s3  }
0x39d: {  	v14 =	vnsel vm0, $0x0, v25;
	v27 =	vld [tilespmem:s21+$0x0]  }
0x39e: {  	(xrf2) =	vadd.scan.msk.f32 $0xffff, v14;
	v8 =	vsub.f32 v22, v24  }
0x39f: {  	(xrf1) =	vsort.dscd.msk.f32 $0xffff, v21, v0  }
0x3a0: {  	v28 =	vmul.f32 $1.442695020e+00, v8;
	(xrf1) =	vsort.ascd.msk.f32 $0xffff, v23, v1  }
0x3a1: {  	(xrf1) =	vsort.dscd.msk.f32 $0xffff, v26, v2  }
0x3a2: {  	(erf) = vpow2.f32 v28;
	(xrf1) =	vsort.ascd.msk.f32 $0xffff, v27, v3;
	_ =	sdelay $0x1  }
0x3a3: {  	v29 =	vpop (erf)  }
0x3a4: {  	v7 =	vmul.f32 v29, v57;
	_ =	sdelay $0x1  }
0x3a5: {  	[tilespmem:s15+$0x8] =	vst.msk $0xff, v7  }
0x3a6: {  	[tilespmem:s16+$0x8] =	vst.msk $0xff, v37  }
0x3a7: {  	v31, _, _ =	vpop (xrf2);
	v33 =	vld [tilespmem:s20+$0x80]  }
0x3a8: {  	v30, v8, _ =	vpop (xrf1);
	v10 =	vbroadcast v31, $0xF;
	v34 =	vld [tilespmem:s20+$0x90]  }
0x3a9: {  	v35 =	vpop (erf);
	v36 =	vld [tilespmem:s20+$0xA0]  }
0x3aa: {  	v32 =	vbroadcast v30, $0x0;
	(erf) = vrcp.f32 v10;
	v11 =	vnsel vm0, $0x0, v35  }
0x3ab: {  	(xrf2) =	vadd.scan.msk.f32 $0xffff, v11;
	v38, v37, _ =	vpop (xrf1)  }
0x3ac: {  	v7 =	vsub.f32 v30, v32;
	(xrf1) =	vsort.dscd.msk.f32 $0xffff, v33, v0;
	v40, v39, _ =	vpop (xrf1)  }
0x3ad: {  	v41 =	vld [tilespmem:s20+$0xB0];
	(xrf1) =	vsort.ascd.msk.f32 $0xffff, v34, v1;
	v43, v42, _ =	vpop (xrf1)  }
0x3ae: {  	v7 =	vmul.f32 $1.442695020e+00, v7;
	vm1 =	vge.f32 v38, v40;
	(xrf1) =	vsort.dscd.msk.f32 $0xffff, v36, v2;
	v45, v44, _ =	vpop (xrf1)  }
0x3af: {  	v10 =	vsel vm1, v38, v40;
	v46 =	vsel vm1, v37, v39;
	vm1 =	vge.f32 v43, v45  }
0x3b0: {  	(erf) = vpow2.f32 v7;
	(xrf1) =	vsort.dscd.msk.f32 $0xffff, v10, v46;
	v13 =	vsel vm1, v43, v45;
	v47 =	vsel vm1, v42, v44  }
0x3b1: {  	(xrf1) =	vsort.ascd.msk.f32 $0xffff, v13, v47  }
0x3b2: {  	(xrf1) =	vsort.ascd.msk.f32 $0xffff, v41, v3  }
0x3b3: {  	v48 =	vpop (erf)  }
0x3b4: {  	v7 =	vmul.f32 v48, v14;
	_ =	sdelay $0x1  }
0x3b5: {  	[tilespmem:s17+$0x0] =	vst.msk $0xff, v7;
	v50, _, _ =	vpop (xrf2)  }
0x3b6: {  	s23 =	sadd.s32 $0xFFFFFF80, s31;
	[tilespmem:s18+$0x0] =	vst.msk $0xff, v52;
	v7 =	vbroadcast v50, $0xF  }
0x3b7: {  	s24 =	sor.u32 $0x50, s23;
	v51 =	vld [tilespmem:s19+$0x40]  }
0x3b8: {  	s25 =	sor.u32 $0x60, s23;
	v49 =	vpop (erf);
	v52 =	vld [tilespmem:s24+$0x0];
	(erf) = vrcp.f32 v7  }
0x3b9: {  	s2 =	sor.u32 $0x70, s23;
	v53 =	vld [tilespmem:s25+$0x0]  }
0x3ba: {  	v10 =	vnsel vm0, $0x0, v49;
	v16 =	vld [tilespmem:s2+$0x0];
	v55, v54, _ =	vpop (xrf1)  }
0x3bb: {  	(xrf2) =	vadd.scan.msk.f32 $0xffff, v10;
	v17, v18, _ =	vpop (xrf1)  }
0x3bc: {  	(xrf1) =	vsort.dscd.msk.f32 $0xffff, v51, v0;
	v19, v20, _ =	vpop (xrf1)  }
0x3bd: {  	(xrf1) =	vsort.ascd.msk.f32 $0xffff, v52, v1;
	v56, v57, _ =	vpop (xrf1)  }
0x3be: {  	(xrf1) =	vsort.dscd.msk.f32 $0xffff, v53, v2;
	vm1 =	vge.f32 v55, v17;
	v59, v58, _ =	vpop (xrf1)  }
0x3bf: {  	(xrf1) =	vsort.ascd.msk.f32 $0xffff, v16, v3;
	v14 =	vsel vm1, v55, v17;
	v61, v60, _ =	vpop (xrf1);
	vm2 =	vge.f32 v56, v59  }
0x3c0: {  	vm3 =	vge.f32 v19, v61;
	v7 =	vsel vm2, v56, v59;
	v62 =	vsel vm2, v57, v58  }
0x3c1: {  	v15 =	vsel vm1, v54, v18;
	v21 =	vpop (erf);
	(xrf1) =	vsort.dscd.msk.f32 $0xffff, v7, v62;
	v23 =	vsel vm3, v19, v61  }
0x3c2: {  	v24 =	vsel vm3, v20, v60;
	v7 =	vmul.f32 v21, v11;
	(xrf1) =	vsort.dscd.msk.f32 $0xffff, v14, v15  }
0x3c3: {  	(xrf1) =	vsort.ascd.msk.f32 $0xffff, v23, v24  }
0x3c4: {  	[tilespmem:s29+$0xFFFFFFF8] =	vst.msk $0xff, v7  }
0x3c5: {  	[tilespmem:s28+$0xFFFFFFF8] =	vst.msk $0xff, v9  }
0x3c6: {  	v63, _, _ =	vpop (xrf2);
	v7 =	vld [tilespmem:s22+$0x0]  }
0x3c7: {  	v13 =	vbroadcast v63, $0xF;
	v9 =	vld [tilespmem:s22+$0x10];
	_ =	sdelay $0x1  }
0x3c8: {  	(erf) = vrcp.f32 v13  }
0x3c9: {  	v25 =	vld [tilespmem:s22+$0x20]  }
0x3ca: {  	v26 =	vld [tilespmem:s22+$0x30];
	v28, v27, _ =	vpop (xrf1);
	(xrf1) =	vsort.dscd.msk.f32 $0xffff, v7, v0  }
0x3cb: {  	v29, v30, _ =	vpop (xrf1);
	(xrf1) =	vsort.ascd.msk.f32 $0xffff, v9, v1  }
0x3cc: {  	v31, v32, _ =	vpop (xrf1)  }
0x3cd: {  	vm1 =	vge.f32 v28, v29;
	v34, v33, _ =	vpop (xrf1)  }
0x3ce: {  	v37 =	vsel vm1, v28, v29;
	(xrf1) =	vsort.dscd.msk.f32 $0xffff, v25, v2;
	v36, v7, _ =	vpop (xrf1)  }
0x3cf: {  	v38 =	vsel vm1, v27, v30;
	vm1 =	vge.f32 v31, v34;
	(xrf1) =	vsort.ascd.msk.f32 $0xffff, v26, v3;
	v40, v39, _ =	vpop (xrf1)  }
0x3d0: {  	v9 =	vsel vm1, v31, v34;
	v41 =	vsel vm1, v32, v33;
	(xrf1) =	vsort.dscd.msk.f32 $0xffff, v37, v38;
	v42, v16, _ =	vpop (xrf1)  }
0x3d1: {  	v35 =	vpop (erf);
	(xrf1) =	vsort.ascd.msk.f32 $0xffff, v9, v41;
	vm1 =	vge.f32 v40, v42  }
0x3d2: {  	v10 =	vmul.f32 v35, v10;
	v43 =	vsel vm1, v40, v42;
	v44 =	vsel vm1, v39, v16  }
0x3d3: {  	(xrf1) =	vsort.dscd.msk.f32 $0xffff, v43, v44  }
0x3d4: {  	[tilespmem:s1+$0xFFFFFFF0] =	vst.msk $0xff, v10;
	v45 =	vbroadcast v36, $0x0  }
0x3d5: {  	s4 =	sadd.s32 $0xFFFFFF00, s9;
	[tilespmem:s8+$0xFFFFFFF0] =	vst.msk $0xff, v8  }
0x3d6: {  	s5 =	sor.u32 $0x50, s4;
	v8 =	vld [tilespmem:s26+$0xFFFFFFC0];
	v9 =	vsub.f32 v36, v45  }
0x3d7: {  	s6 =	sor.u32 $0x60, s4;
	v10 =	vld [tilespmem:s5+$0x0]  }
0x3d8: {  	s2 =	sor.u32 $0x70, s4;
	v46 =	vld [tilespmem:s6+$0x0];
	v9 =	vmul.f32 $1.442695020e+00, v9;
	v49, v48, _ =	vpop (xrf1)  }
0x3d9: {  	v47 =	vld [tilespmem:s2+$0x0];
	v51, v50, _ =	vpop (xrf1)  }
0x3da: {  	(erf) = vpow2.f32 v9;
	vm1 =	vge.f32 v49, v51  }
0x3db: {  	(xrf1) =	vsort.dscd.msk.f32 $0xffff, v8, v0;
	v9 =	vsel vm1, v48, v50  }
0x3dc: {  	(xrf1) =	vsort.ascd.msk.f32 $0xffff, v10, v1;
	v53, v52, _ =	vpop (xrf1);
	v8 =	vsel vm1, v49, v51  }
0x3dd: {  	(xrf1) =	vsort.dscd.msk.f32 $0xffff, v46, v2;
	v55, v54, _ =	vpop (xrf1)  }
0x3de: {  	(xrf1) =	vsort.ascd.msk.f32 $0xffff, v47, v3;
	vm1 =	vge.f32 v53, v55;
	v56, v57, _ =	vpop (xrf1)  }
0x3df: {  	(xrf1) =	vsort.dscd.msk.f32 $0xffff, v8, v9;
	v11 =	vsel vm1, v53, v55;
	v58 =	vsel vm1, v52, v54;
	v8, v9, _ =	vpop (xrf1)  }
0x3e0: {  	(xrf1) =	vsort.ascd.msk.f32 $0xffff, v11, v58;
	vm1 =	vge.f32 v56, v8  }
0x3e1: {  	v8 =	vsel vm1, v56, v8;
	v9 =	vsel vm1, v57, v9;
	v60, v59, _ =	vpop (xrf1)  }
0x3e2: {  	(xrf1) =	vsort.dscd.msk.f32 $0xffff, v8, v9;
	v61 =	vbroadcast v60, $0x0  }
0x3e3: {  	v62 =	vpop (erf)  }
0x3e4: {  	v8 =	vnsel vm0, $0x0, v62;
	v9 =	vsub.f32 v60, v61  }
0x3e5: {  	(xrf2) =	vadd.scan.msk.f32 $0xffff, v8  }
0x3e6: {  	v9 =	vmul.f32 $1.442695020e+00, v9;
	_ =	sdelay $0x1  }
0x3e7: {  	(erf) = vpow2.f32 v9  }
0x3e8: {  	v21, v63, _ =	vpop (xrf1)  }
0x3e9: {  	v22, v23, _ =	vpop (xrf1)  }
0x3ea: {  	v14, v15, _ =	vpop (xrf1);
	vm1 =	vge.f32 v21, v22  }
0x3eb: {  	v25, v24, _ =	vpop (xrf1);
	v10 =	vsel vm1, v63, v23;
	v9 =	vsel vm1, v21, v22  }
0x3ec: {  	v18, v19, _ =	vpop (xrf1);
	(xrf1) =	vsort.dscd.msk.f32 $0xffff, v9, v10  }
0x3ed: {  	vm1 =	vge.f32 v14, v25;
	v26, v27, _ =	vpop (xrf1)  }
0x3ee: {  	v29 =	vsel vm1, v14, v25;
	v30 =	vsel vm1, v15, v24;
	v28, _, _ =	vpop (xrf2);
	vm1 =	vge.f32 v18, v26  }
0x3ef: {  	(xrf1) =	vsort.ascd.msk.f32 $0xffff, v29, v30;
	v31 =	vsel vm1, v18, v26;
	v32 =	vsel vm1, v19, v27;
	v34, v33, _ =	vpop (xrf1)  }
0x3f0: {  	v9 =	vbroadcast v28, $0xF;
	(xrf1) =	vsort.dscd.msk.f32 $0xffff, v31, v32;
	v35 =	vbroadcast v34, $0x0;
	v36 =	vpop (erf)  }
0x3f1: {  	v12 =	vnsel vm0, $0x0, v36  }
0x3f2: {  	(erf) = vrcp.f32 v9;
	v37 =	vsub.f32 v34, v35;
	(xrf2) =	vadd.scan.msk.f32 $0xffff, v12;
	_ =	sdelay $0x1  }
0x3f3: {  	v9 =	vmul.f32 $1.442695020e+00, v37;
	_ =	sdelay $0x1  }
0x3f4: {  	(erf) = vpow2.f32 v9;
	_ =	sdelay $0x3  }
0x3f5: {  	v10, v13, _ =	vpop (xrf1)  }
0x3f6: {  	v9 =	vpop (erf)  }
0x3f7: {  	v38, _, _ =	vpop (xrf2)  }
0x3f8: {  	v39, v40, _ =	vpop (xrf1);
	v15 =	vbroadcast v38, $0xF  }
0x3f9: {  	vm1 =	vge.f32 v10, v39;
	v41, v42, _ =	vpop (xrf1)  }
0x3fa: {  	v10 =	vsel vm1, v10, v39;
	v13 =	vsel vm1, v13, v40;
	v43 =	vpop (erf);
	(erf) = vrcp.f32 v15  }
0x3fb: {  	(xrf1) =	vsort.dscd.msk.f32 $0xffff, v10, v13;
	v44 =	vbroadcast v41, $0x0;
	v45 =	vnsel vm0, $0x0, v43  }
0x3fc: {  	(xrf2) =	vadd.scan.msk.f32 $0xffff, v45  }
0x3fd: {  	v10 =	vsub.f32 v41, v44;
	_ =	sdelay $0x1  }
0x3fe: {  	v10 =	vmul.f32 $1.442695020e+00, v10;
	_ =	sdelay $0x1  }
0x3ff: {  	(erf) = vpow2.f32 v10;
	_ =	sdelay $0x1  }
0x400: {  	v46 =	vpop (erf)  }
0x401: {  	v10 =	vmul.f32 v46, v12;
	_ =	sdelay $0x1  }
0x402: {  	v47, _, _ =	vpop (xrf2);
	[tilespmem:s15+$0x10] =	vst.msk $0xff, v10  }
0x403: {  	v48 =	vbroadcast v47, $0xF;
	[tilespmem:s16+$0x10] =	vst.msk $0xff, v59  }
0x404: {  	s7 =	sor.u32 $0x50, s0;
	v11 =	vld [tilespmem:s20+$0xC0]  }
0x405: {  	v49, v15, _ =	vpop (xrf1);
	(erf) = vrcp.f32 v48;
	v50 =	vld [tilespmem:s7+$0x0];
	s20 =	sor.u32 $0x60, s0  }
0x406: {  	s21 =	sor.u32 $0x70, s0;
	v51 =	vbroadcast v49, $0x0;
	v52 =	vpop (erf);
	v53 =	vld [tilespmem:s20+$0x0]  }
0x407: {  	v17 =	vnsel vm0, $0x0, v52;
	v54 =	vld [tilespmem:s21+$0x0]  }
0x408: {  	v12 =	vsub.f32 v49, v51;
	(xrf2) =	vadd.scan.msk.f32 $0xffff, v17  }
0x409: {  	(xrf1) =	vsort.dscd.msk.f32 $0xffff, v11, v0  }
0x40a: {  	v55 =	vmul.f32 $1.442695020e+00, v12;
	(xrf1) =	vsort.ascd.msk.f32 $0xffff, v50, v1  }
0x40b: {  	(xrf1) =	vsort.dscd.msk.f32 $0xffff, v53, v2  }
0x40c: {  	(erf) = vpow2.f32 v55;
	(xrf1) =	vsort.ascd.msk.f32 $0xffff, v54, v3;
	_ =	sdelay $0x1  }
0x40d: {  	v56 =	vpop (erf)  }
0x40e: {  	v10 =	vmul.f32 v56, v45;
	_ =	sdelay $0x1  }
0x40f: {  	[tilespmem:s17+$0x8] =	vst.msk $0xff, v10  }
0x410: {  	[tilespmem:s18+$0x8] =	vst.msk $0xff, v33  }
0x411: {  	v57, _, _ =	vpop (xrf2);
	v58 =	vld [tilespmem:s19+$0x80]  }
0x412: {  	v10 =	vbroadcast v57, $0xF;
	v59 =	vld [tilespmem:s19+$0x90]  }
0x413: {  	v60 =	vpop (erf);
	v14 =	vld [tilespmem:s19+$0xA0]  }
0x414: {  	v13 =	vnsel vm0, $0x0, v60;
	(erf) = vrcp.f32 v10  }
0x415: {  	(xrf2) =	vadd.scan.msk.f32 $0xffff, v13;
	v62, v61, _ =	vpop (xrf1)  }
0x416: {  	(xrf1) =	vsort.dscd.msk.f32 $0xffff, v58, v0;
	v24, v63, _ =	vpop (xrf1)  }
0x417: {  	v25 =	vld [tilespmem:s19+$0xB0];
	(xrf1) =	vsort.ascd.msk.f32 $0xffff, v59, v1;
	v27, v26, _ =	vpop (xrf1)  }
0x418: {  	(xrf1) =	vsort.dscd.msk.f32 $0xffff, v14, v2;
	vm1 =	vge.f32 v62, v24;
	v29, v28, _ =	vpop (xrf1)  }
0x419: {  	v10 =	vsel vm1, v62, v24;
	v30 =	vsel vm1, v61, v63;
	vm1 =	vge.f32 v27, v29  }
0x41a: {  	(xrf1) =	vsort.dscd.msk.f32 $0xffff, v10, v30;
	v12 =	vsel vm1, v27, v29;
	v31 =	vsel vm1, v26, v28  }
0x41b: {  	(xrf1) =	vsort.ascd.msk.f32 $0xffff, v12, v31  }
0x41c: {  	(xrf1) =	vsort.ascd.msk.f32 $0xffff, v25, v3  }
0x41d: {  	v32 =	vpop (erf)  }
0x41e: {  	v10 =	vmul.f32 v32, v17;
	_ =	sdelay $0x1  }
0x41f: {  	v33, _, _ =	vpop (xrf2);
	[tilespmem:s29+$0x0] =	vst.msk $0xff, v10  }
0x420: {  	s23 =	sadd.s32 $0xFFFFFF80, s30;
	v10 =	vbroadcast v33, $0xF;
	[tilespmem:s28+$0x0] =	vst.msk $0xff, v42  }
0x421: {  	s24 =	sor.u32 $0x50, s23;
	v34 =	vld [tilespmem:s22+$0x40]  }
0x422: {  	s25 =	sor.u32 $0x60, s23;
	v35 =	vld [tilespmem:s24+$0x0];
	(erf) = vrcp.f32 v10  }
0x423: {  	s0 =	sor.u32 $0x70, s23;
	v36 =	vld [tilespmem:s25+$0x0]  }
0x424: {  	v37 =	vld [tilespmem:s0+$0x0];
	v38, v39, _ =	vpop (xrf1)  }
0x425: {  	v40, v41, _ =	vpop (xrf1)  }
0x426: {  	(xrf1) =	vsort.dscd.msk.f32 $0xffff, v34, v0;
	v43, v42, _ =	vpop (xrf1)  }
0x427: {  	(xrf1) =	vsort.ascd.msk.f32 $0xffff, v35, v1;
	v44, v45, _ =	vpop (xrf1)  }
0x428: {  	(xrf1) =	vsort.dscd.msk.f32 $0xffff, v36, v2;
	vm1 =	vge.f32 v38, v40;
	v47, v46, _ =	vpop (xrf1)  }
0x429: {  	(xrf1) =	vsort.ascd.msk.f32 $0xffff, v37, v3;
	v50 =	vsel vm1, v38, v40;
	v49, v48, _ =	vpop (xrf1);
	vm2 =	vge.f32 v44, v47  }
0x42a: {  	vm3 =	vge.f32 v43, v49;
	v11 =	vsel vm2, v44, v47;
	v12 =	vsel vm2, v45, v46  }
0x42b: {  	v51 =	vsel vm1, v39, v41;
	v52 =	vpop (erf);
	(xrf1) =	vsort.dscd.msk.f32 $0xffff, v11, v12;
	v10 =	vsel vm3, v43, v49  }
0x42c: {  	v53 =	vsel vm3, v42, v48;
	v11 =	vmul.f32 v52, v13;
	(xrf1) =	vsort.dscd.msk.f32 $0xffff, v50, v51  }
0x42d: {  	(xrf1) =	vsort.ascd.msk.f32 $0xffff, v10, v53  }
0x42e: {  	[tilespmem:s1+$0xFFFFFFF8] =	vst.msk $0xff, v11  }
0x42f: {  	[tilespmem:s8+$0xFFFFFFF8] =	vst.msk $0xff, v15  }
0x430: {  	v54 =	vld [tilespmem:s26+$0x0]  }
0x431: {  	v11 =	vld [tilespmem:s26+$0x10];
	_ =	sdelay $0x2  }
0x432: {  	v55 =	vld [tilespmem:s26+$0x20]  }
0x433: {  	v56 =	vld [tilespmem:s26+$0x30];
	v57, v58, _ =	vpop (xrf1);
	(xrf1) =	vsort.dscd.msk.f32 $0xffff, v54, v0  }
0x434: {  	v59, v17, _ =	vpop (xrf1);
	(xrf1) =	vsort.ascd.msk.f32 $0xffff, v11, v1  }
0x435: {  	v60, v61, _ =	vpop (xrf1)  }
0x436: {  	vm1 =	vge.f32 v57, v59;
	v63, v62, _ =	vpop (xrf1)  }
0x437: {  	v22 =	vsel vm1, v57, v59;
	(xrf1) =	vsort.dscd.msk.f32 $0xffff, v55, v2;
	v21, v10, _ =	vpop (xrf1)  }
0x438: {  	v23 =	vsel vm1, v58, v17;
	vm1 =	vge.f32 v60, v63;
	(xrf1) =	vsort.ascd.msk.f32 $0xffff, v56, v3;
	v25, v24, _ =	vpop (xrf1)  }
0x439: {  	v11 =	vsel vm1, v60, v63;
	v26 =	vsel vm1, v61, v62;
	(xrf1) =	vsort.dscd.msk.f32 $0xffff, v22, v23;
	v27, v17, _ =	vpop (xrf1)  }
0x43a: {  	(xrf1) =	vsort.ascd.msk.f32 $0xffff, v11, v26;
	vm1 =	vge.f32 v25, v27  }
0x43b: {  	v28 =	vsel vm1, v25, v27;
	v29 =	vsel vm1, v24, v17  }
0x43c: {  	(xrf1) =	vsort.dscd.msk.f32 $0xffff, v28, v29;
	_ =	sdelay $0x3  }
0x43d: {  	v30 =	vbroadcast v21, $0x0  }
0x43e: {  	v32, v31, _ =	vpop (xrf1)  }
0x43f: {  	v11 =	vsub.f32 v21, v30;
	v14, v15, _ =	vpop (xrf1)  }
0x440: {  	vm1 =	vge.f32 v32, v14  }
0x441: {  	v11 =	vmul.f32 $1.442695020e+00, v11;
	v13 =	vsel vm1, v31, v15  }
0x442: {  	v16, v17, _ =	vpop (xrf1);
	v12 =	vsel vm1, v32, v14  }
0x443: {  	(erf) = vpow2.f32 v11;
	v34, v33, _ =	vpop (xrf1)  }
0x444: {  	vm1 =	vge.f32 v16, v34;
	v35, v36, _ =	vpop (xrf1)  }
0x445: {  	v11 =	vsel vm1, v16, v34;
	v37 =	vsel vm1, v17, v33;
	(xrf1) =	vsort.dscd.msk.f32 $0xffff, v12, v13;
	v12, v13, _ =	vpop (xrf1)  }
0x446: {  	(xrf1) =	vsort.ascd.msk.f32 $0xffff, v11, v37;
	vm1 =	vge.f32 v35, v12  }
0x447: {  	v38 =	vsel vm1, v35, v12;
	v39 =	vsel vm1, v36, v13;
	v41, v40, _ =	vpop (xrf1)  }
0x448: {  	(xrf1) =	vsort.dscd.msk.f32 $0xffff, v38, v39;
	v42 =	vbroadcast v41, $0x0;
	_ =	sdelay $0x1  }
0x449: {  	v11 =	vsub.f32 v41, v42;
	_ =	sdelay $0x1  }
0x44a: {  	v43 =	vpop (erf);
	v13 =	vmul.f32 $1.442695020e+00, v11  }
0x44b: {  	v11 =	vnsel vm0, $0x0, v43  }
0x44c: {  	(xrf2) =	vadd.scan.msk.f32 $0xffff, v11;
	(erf) = vpow2.f32 v13;
	_ =	sdelay $0x4  }
0x44d: {  	v44, v45, _ =	vpop (xrf1)  }
0x44e: {  	v46, v16, _ =	vpop (xrf1)  }
0x44f: {  	vm1 =	vge.f32 v44, v46  }
0x450: {  	v12 =	vsel vm1, v44, v46;
	v13 =	vsel vm1, v45, v16;
	v47, v48, _ =	vpop (xrf1)  }
0x451: {  	(xrf1) =	vsort.dscd.msk.f32 $0xffff, v12, v13;
	v49 =	vbroadcast v47, $0x0;
	v50 =	vpop (erf)  }
0x452: {  	v51, _, _ =	vpop (xrf2);
	v13 =	vnsel vm0, $0x0, v50  }
0x453: {  	v17 =	vbroadcast v51, $0xF;
	v12 =	vsub.f32 v47, v49;
	(xrf2) =	vadd.scan.msk.f32 $0xffff, v13;
	_ =	sdelay $0x1  }
0x454: {  	(erf) = vrcp.f32 v17;
	v12 =	vmul.f32 $1.442695020e+00, v12;
	_ =	sdelay $0x1  }
0x455: {  	(erf) = vpow2.f32 v12;
	_ =	sdelay $0x5  }
0x456: {  	v52, _, _ =	vpop (xrf2)  }
0x457: {  	v12 =	vpop (erf);
	v15 =	vbroadcast v52, $0xF  }
0x458: {  	v54, v53, _ =	vpop (xrf1)  }
0x459: {  	v55 =	vpop (erf);
	(erf) = vrcp.f32 v15  }
0x45a: {  	v56 =	vbroadcast v54, $0x0;
	v19 =	vnsel vm0, $0x0, v55  }
0x45b: {  	(xrf2) =	vadd.scan.msk.f32 $0xffff, v19  }
0x45c: {  	v15 =	vsub.f32 v54, v56;
	_ =	sdelay $0x1  }
0x45d: {  	v15 =	vmul.f32 $1.442695020e+00, v15;
	_ =	sdelay $0x1  }
0x45e: {  	(erf) = vpow2.f32 v15;
	_ =	sdelay $0x1  }
0x45f: {  	v57 =	vpop (erf)  }
0x460: {  	v13 =	vmul.f32 v57, v13;
	_ =	sdelay $0x1  }
0x461: {  	v58, _, _ =	vpop (xrf2);
	[tilespmem:s17+$0x10] =	vst.msk $0xff, v13  }
0x462: {  	v59 =	vbroadcast v58, $0xF;
	[tilespmem:s18+$0x10] =	vst.msk $0xff, v40  }
0x463: {  	s3 =	sor.u32 $0x50, s31;
	v14 =	vld [tilespmem:s19+$0xC0]  }
0x464: {  	s4 =	sor.u32 $0x60, s31;
	(erf) = vrcp.f32 v59;
	v60 =	vld [tilespmem:s3+$0x0]  }
0x465: {  	s5 =	sor.u32 $0x70, s31;
	v61 =	vpop (erf);
	v62 =	vld [tilespmem:s4+$0x0]  }
0x466: {  	v15 =	vnsel vm0, $0x0, v61;
	v63 =	vld [tilespmem:s5+$0x0]  }
0x467: {  	(xrf2) =	vadd.scan.msk.f32 $0xffff, v15  }
0x468: {  	(xrf1) =	vsort.dscd.msk.f32 $0xffff, v14, v0  }
0x469: {  	(xrf1) =	vsort.ascd.msk.f32 $0xffff, v60, v1  }
0x46a: {  	(xrf1) =	vsort.dscd.msk.f32 $0xffff, v62, v2  }
0x46b: {  	(xrf1) =	vsort.ascd.msk.f32 $0xffff, v63, v3;
	_ =	sdelay $0x1  }
0x46c: {  	v21 =	vpop (erf)  }
0x46d: {  	v13 =	vmul.f32 v21, v19;
	_ =	sdelay $0x1  }
0x46e: {  	[tilespmem:s29+$0x8] =	vst.msk $0xff, v13  }
0x46f: {  	[tilespmem:s28+$0x8] =	vst.msk $0xff, v48  }
0x470: {  	v22, _, _ =	vpop (xrf2);
	v23 =	vld [tilespmem:s22+$0x80]  }
0x471: {  	v13 =	vbroadcast v22, $0xF;
	v16 =	vld [tilespmem:s22+$0x90]  }
0x472: {  	v24 =	vld [tilespmem:s22+$0xA0]  }
0x473: {  	(erf) = vrcp.f32 v13  }
0x474: {  	v26, v25, _ =	vpop (xrf1)  }
0x475: {  	(xrf1) =	vsort.dscd.msk.f32 $0xffff, v23, v0;
	v28, v27, _ =	vpop (xrf1)  }
0x476: {  	(xrf1) =	vsort.ascd.msk.f32 $0xffff, v16, v1;
	v31, v30, _ =	vpop (xrf1)  }
0x477: {  	v29 =	vld [tilespmem:s22+$0xB0];
	(xrf1) =	vsort.dscd.msk.f32 $0xffff, v24, v2;
	vm1 =	vge.f32 v26, v28;
	v33, v32, _ =	vpop (xrf1)  }
0x478: {  	v13 =	vsel vm1, v26, v28;
	v34 =	vsel vm1, v25, v27;
	vm1 =	vge.f32 v31, v33  }
0x479: {  	(xrf1) =	vsort.dscd.msk.f32 $0xffff, v13, v34;
	v16 =	vsel vm1, v31, v33;
	v35 =	vsel vm1, v30, v32  }
0x47a: {  	(xrf1) =	vsort.ascd.msk.f32 $0xffff, v16, v35;
	_ =	sdelay $0x1  }
0x47b: {  	v36 =	vpop (erf);
	(xrf1) =	vsort.ascd.msk.f32 $0xffff, v29, v3  }
0x47c: {  	v13 =	vmul.f32 v36, v15;
	_ =	sdelay $0x1  }
0x47d: {  	[tilespmem:s1+$0x0] =	vst.msk $0xff, v13  }
0x47e: {  	s6 =	sadd.s32 $0xFFFFFF80, s9;
	[tilespmem:s8+$0x0] =	vst.msk $0xff, v53  }
0x47f: {  	s7 =	sor.u32 $0x50, s6;
	v13 =	vld [tilespmem:s26+$0x40]  }
0x480: {  	s19 =	sor.u32 $0x60, s6;
	v37 =	vld [tilespmem:s7+$0x0]  }
0x481: {  	s0 =	sor.u32 $0x70, s6;
	v38 =	vld [tilespmem:s19+$0x0]  }
0x482: {  	v39 =	vld [tilespmem:s0+$0x0];
	v40, v41, _ =	vpop (xrf1)  }
0x483: {  	v19, v20, _ =	vpop (xrf1)  }
0x484: {  	(xrf1) =	vsort.dscd.msk.f32 $0xffff, v13, v0;
	v43, v42, _ =	vpop (xrf1)  }
0x485: {  	(xrf1) =	vsort.ascd.msk.f32 $0xffff, v37, v1;
	v44, v45, _ =	vpop (xrf1)  }
0x486: {  	(xrf1) =	vsort.dscd.msk.f32 $0xffff, v38, v2;
	v47, v46, _ =	vpop (xrf1)  }
0x487: {  	vm1 =	vge.f32 v40, v19;
	(xrf1) =	vsort.ascd.msk.f32 $0xffff, v39, v3;
	vm2 =	vge.f32 v44, v47  }
0x488: {  	v50 =	vsel vm1, v40, v19;
	v49, v48, _ =	vpop (xrf1);
	v13 =	vsel vm2, v44, v47;
	v14 =	vsel vm2, v45, v46  }
0x489: {  	v51 =	vsel vm1, v41, v20;
	vm3 =	vge.f32 v43, v49;
	(xrf1) =	vsort.dscd.msk.f32 $0xffff, v13, v14  }
0x48a: {  	v52 =	vsel vm3, v43, v49;
	v53 =	vsel vm3, v42, v48;
	(xrf1) =	vsort.dscd.msk.f32 $0xffff, v50, v51  }
0x48b: {  	(xrf1) =	vsort.ascd.msk.f32 $0xffff, v52, v53;
	_ =	sdelay $0x7  }
0x48c: {  	v55, v54, _ =	vpop (xrf1)  }
0x48d: {  	v56, v57, _ =	vpop (xrf1)  }
0x48e: {  	v59, v58, _ =	vpop (xrf1)  }
0x48f: {  	v60, v61, _ =	vpop (xrf1)  }
0x490: {  	vm1 =	vge.f32 v55, v56;
	v62, v13, _ =	vpop (xrf1)  }
0x491: {  	v14 =	vsel vm1, v55, v56;
	v15 =	vsel vm1, v54, v57;
	vm1 =	vge.f32 v59, v60;
	v63, v23, _ =	vpop (xrf1)  }
0x492: {  	(xrf1) =	vsort.dscd.msk.f32 $0xffff, v14, v15;
	v24 =	vsel vm1, v59, v60;
	v25 =	vsel vm1, v58, v61;
	v26, v27, _ =	vpop (xrf1)  }
0x493: {  	(xrf1) =	vsort.ascd.msk.f32 $0xffff, v24, v25;
	vm1 =	vge.f32 v63, v26  }
0x494: {  	v28 =	vsel vm1, v63, v26;
	v29 =	vsel vm1, v23, v27  }
0x495: {  	(xrf1) =	vsort.dscd.msk.f32 $0xffff, v28, v29;
	_ =	sdelay $0x4  }
0x496: {  	v30 =	vbroadcast v62, $0x0;
	_ =	sdelay $0x1  }
0x497: {  	v14 =	vsub.f32 v62, v30;
	_ =	sdelay $0x1  }
0x498: {  	v14 =	vmul.f32 $1.442695020e+00, v14;
	_ =	sdelay $0x1  }
0x499: {  	(erf) = vpow2.f32 v14;
	v32, v31, _ =	vpop (xrf1)  }
0x49a: {  	v33, v34, _ =	vpop (xrf1)  }
0x49b: {  	vm1 =	vge.f32 v32, v33  }
0x49c: {  	v14 =	vsel vm1, v32, v33;
	v15 =	vsel vm1, v31, v34;
	v35, v36, _ =	vpop (xrf1)  }
0x49d: {  	(xrf1) =	vsort.dscd.msk.f32 $0xffff, v14, v15;
	v37 =	vbroadcast v35, $0x0;
	_ =	sdelay $0x1  }
0x49e: {  	v14 =	vsub.f32 v35, v37;
	_ =	sdelay $0x1  }
0x49f: {  	v38 =	vmul.f32 $1.442695020e+00, v14  }
0x4a0: {  	v39 =	vpop (erf)  }
0x4a1: {  	v14 =	vnsel vm0, $0x0, v39;
	(erf) = vpow2.f32 v38  }
0x4a2: {  	(xrf2) =	vadd.scan.msk.f32 $0xffff, v14;
	_ =	sdelay $0x6  }
0x4a3: {  	v41, v40, _ =	vpop (xrf1)  }
0x4a4: {  	v42 =	vbroadcast v41, $0x0;
	v43 =	vpop (erf)  }
0x4a5: {  	v19 =	vnsel vm0, $0x0, v43  }
0x4a6: {  	v15 =	vsub.f32 v41, v42;
	v44, _, _ =	vpop (xrf2);
	(xrf2) =	vadd.scan.msk.f32 $0xffff, v19  }
0x4a7: {  	v45 =	vbroadcast v44, $0xF  }
0x4a8: {  	v15 =	vmul.f32 $1.442695020e+00, v15  }
0x4a9: {  	(erf) = vrcp.f32 v45  }
0x4aa: {  	(erf) = vpow2.f32 v15;
	_ =	sdelay $0x5  }
0x4ab: {  	v46, _, _ =	vpop (xrf2)  }
0x4ac: {  	v47 =	vbroadcast v46, $0xF  }
0x4ad: {  	v15 =	vpop (erf)  }
0x4ae: {  	v48 =	vpop (erf);
	(erf) = vrcp.f32 v47  }
0x4af: {  	v49 =	vnsel vm0, $0x0, v48  }
0x4b0: {  	(xrf2) =	vadd.scan.msk.f32 $0xffff, v49;
	_ =	sdelay $0x6  }
0x4b1: {  	v50 =	vpop (erf)  }
0x4b2: {  	v19 =	vmul.f32 v50, v19;
	_ =	sdelay $0x1  }
0x4b3: {  	v51, _, _ =	vpop (xrf2);
	[tilespmem:s29+$0x10] =	vst.msk $0xff, v19  }
0x4b4: {  	v52 =	vbroadcast v51, $0xF;
	[tilespmem:s28+$0x10] =	vst.msk $0xff, v36  }
0x4b5: {  	s20 =	sor.u32 $0x50, s30;
	v17 =	vld [tilespmem:s22+$0xC0]  }
0x4b6: {  	s21 =	sor.u32 $0x60, s30;
	(erf) = vrcp.f32 v52;
	v53 =	vld [tilespmem:s20+$0x0]  }
0x4b7: {  	v54 =	vld [tilespmem:s21+$0x0];
	s22 =	sor.u32 $0x70, s30  }
0x4b8: {  	v55 =	vld [tilespmem:s22+$0x0];
	_ =	sdelay $0x1  }
0x4b9: {  	(xrf1) =	vsort.dscd.msk.f32 $0xffff, v17, v0  }
0x4ba: {  	(xrf1) =	vsort.ascd.msk.f32 $0xffff, v53, v1  }
0x4bb: {  	(xrf1) =	vsort.dscd.msk.f32 $0xffff, v54, v2  }
0x4bc: {  	(xrf1) =	vsort.ascd.msk.f32 $0xffff, v55, v3;
	_ =	sdelay $0x1  }
0x4bd: {  	v56 =	vpop (erf)  }
0x4be: {  	v17 =	vmul.f32 v56, v49;
	_ =	sdelay $0x1  }
0x4bf: {  	[tilespmem:s1+$0x8] =	vst.msk $0xff, v17  }
0x4c0: {  	[tilespmem:s8+$0x8] =	vst.msk $0xff, v40  }
0x4c1: {  	v16 =	vld [tilespmem:s26+$0x80]  }
0x4c2: {  	v17 =	vld [tilespmem:s26+$0x90]  }
0x4c3: {  	v57 =	vld [tilespmem:s26+$0xA0];
	_ =	sdelay $0x1  }
0x4c4: {  	v58, v59, _ =	vpop (xrf1)  }
0x4c5: {  	(xrf1) =	vsort.dscd.msk.f32 $0xffff, v16, v0;
	v61, v60, _ =	vpop (xrf1)  }
0x4c6: {  	(xrf1) =	vsort.ascd.msk.f32 $0xffff, v17, v1;
	v63, v62, _ =	vpop (xrf1)  }
0x4c7: {  	v28 =	vld [tilespmem:s26+$0xB0];
	(xrf1) =	vsort.dscd.msk.f32 $0xffff, v57, v2;
	vm1 =	vge.f32 v58, v61;
	v30, v29, _ =	vpop (xrf1)  }
0x4c8: {  	v16 =	vsel vm1, v58, v61;
	v31 =	vsel vm1, v59, v60;
	vm1 =	vge.f32 v63, v30  }
0x4c9: {  	(xrf1) =	vsort.dscd.msk.f32 $0xffff, v16, v31;
	v17 =	vsel vm1, v63, v30;
	v32 =	vsel vm1, v62, v29  }
0x4ca: {  	(xrf1) =	vsort.ascd.msk.f32 $0xffff, v17, v32;
	_ =	sdelay $0x1  }
0x4cb: {  	(xrf1) =	vsort.ascd.msk.f32 $0xffff, v28, v3;
	_ =	sdelay $0x7  }
0x4cc: {  	v33, v34, _ =	vpop (xrf1)  }
0x4cd: {  	v36, v35, _ =	vpop (xrf1)  }
0x4ce: {  	v20, v21, _ =	vpop (xrf1)  }
0x4cf: {  	v37, v38, _ =	vpop (xrf1)  }
0x4d0: {  	v39, v25, _ =	vpop (xrf1)  }
0x4d1: {  	vm1 =	vge.f32 v37, v39  }
0x4d2: {  	v40, v26, _ =	vpop (xrf1);
	v22 =	vsel vm1, v37, v39  }
0x4d3: {  	v23 =	vsel vm1, v38, v25;
	vm1 =	vge.f32 v33, v36;
	vm2 =	vge.f32 v20, v40  }
0x4d4: {  	v16 =	vsel vm1, v33, v36;
	v17 =	vsel vm1, v34, v35;
	(xrf1) =	vsort.dscd.msk.f32 $0xffff, v22, v23  }
0x4d5: {  	v41 =	vsel vm2, v20, v40;
	v42 =	vsel vm2, v21, v26;
	(xrf1) =	vsort.dscd.msk.f32 $0xffff, v16, v17  }
0x4d6: {  	(xrf1) =	vsort.ascd.msk.f32 $0xffff, v41, v42;
	_ =	sdelay $0xb  }
0x4d7: {  	v16, v17, _ =	vpop (xrf1)  }
0x4d8: {  	v18, v19, _ =	vpop (xrf1)  }
0x4d9: {  	v43, v44, _ =	vpop (xrf1)  }
0x4da: {  	vm1 =	vge.f32 v18, v43  }
0x4db: {  	v18 =	vsel vm1, v18, v43;
	v19 =	vsel vm1, v19, v44  }
0x4dc: {  	(xrf1) =	vsort.dscd.msk.f32 $0xffff, v18, v19;
	_ =	sdelay $0xd  }
0x4dd: {  	v45 =	vbroadcast v16, $0x0;
	v19, v46, _ =	vpop (xrf1)  }
0x4de: {  	v47 =	vbroadcast v19, $0x0  }
0x4df: {  	v16 =	vsub.f32 v16, v45  }
0x4e0: {  	v48 =	vsub.f32 v19, v47  }
0x4e1: {  	v16 =	vmul.f32 $1.442695020e+00, v16  }
0x4e2: {  	v18 =	vmul.f32 $1.442695020e+00, v48  }
0x4e3: {  	(erf) = vpow2.f32 v16  }
0x4e4: {  	(erf) = vpow2.f32 v18;
	_ =	sdelay $0x7  }
0x4e5: {  	v16 =	vpop (erf)  }
0x4e6: {  	v16 =	vnsel vm0, $0x0, v16;
	v18 =	vpop (erf)  }
0x4e7: {  	(xrf2) =	vadd.scan.msk.f32 $0xffff, v16;
	v18 =	vnsel vm0, $0x0, v18  }
0x4e8: {  	(xrf2) =	vadd.scan.msk.f32 $0xffff, v18;
	_ =	sdelay $0x8  }
0x4e9: {  	v49, _, _ =	vpop (xrf2)  }
0x4ea: {  	v19 =	vbroadcast v49, $0xF;
	v50, _, _ =	vpop (xrf2)  }
0x4eb: {  	v21 =	vbroadcast v50, $0xF  }
0x4ec: {  	(erf) = vrcp.f32 v19  }
0x4ed: {  	(erf) = vrcp.f32 v21;
	_ =	sdelay $0x7  }
0x4ee: {  	v19 =	vpop (erf)  }
0x4ef: {  	v21 =	vpop (erf)  }
0x4f0: {  	v18 =	vmul.f32 v21, v18;
	_ =	sdelay $0x1  }
0x4f1: {  	[tilespmem:s1+$0x10] =	vst.msk $0xff, v18  }
0x4f2: {  	[tilespmem:s8+$0x10] =	vst.msk $0xff, v46  }
0x4f3: {  	s23 =	sor.u32 $0x50, s9;
	v18 =	vld [tilespmem:s26+$0xC0]  }
0x4f4: {  	s24 =	sor.u32 $0x60, s9;
	v20 =	vld [tilespmem:s23+$0x0]  }
0x4f5: {  	s25 =	sor.u32 $0x70, s9;
	v51 =	vld [tilespmem:s24+$0x0]  }
0x4f6: {  	v52 =	vld [tilespmem:s25+$0x0];
	_ =	sdelay $0x1  }
0x4f7: {  	(xrf1) =	vsort.dscd.msk.f32 $0xffff, v18, v0  }
0x4f8: {  	(xrf1) =	vsort.ascd.msk.f32 $0xffff, v20, v1  }
0x4f9: {  	(xrf1) =	vsort.dscd.msk.f32 $0xffff, v51, v2  }
0x4fa: {  	(xrf1) =	vsort.ascd.msk.f32 $0xffff, v52, v3;
	_ =	sdelay $0xa  }
0x4fb: {  	v18, v53, _ =	vpop (xrf1)  }
0x4fc: {  	v54, v55, _ =	vpop (xrf1)  }
0x4fd: {  	v56, v57, _ =	vpop (xrf1)  }
0x4fe: {  	vm1 =	vge.f32 v18, v54;
	v58, v59, _ =	vpop (xrf1)  }
0x4ff: {  	v18 =	vsel vm1, v18, v54;
	v20 =	vsel vm1, v53, v55;
	vm1 =	vge.f32 v56, v58  }
0x500: {  	(xrf1) =	vsort.dscd.msk.f32 $0xffff, v18, v20;
	v60 =	vsel vm1, v56, v58;
	v61 =	vsel vm1, v57, v59  }
0x501: {  	(xrf1) =	vsort.ascd.msk.f32 $0xffff, v60, v61;
	_ =	sdelay $0xc  }
0x502: {  	v18, v20, _ =	vpop (xrf1)  }
0x503: {  	v21, v22, _ =	vpop (xrf1)  }
0x504: {  	vm1 =	vge.f32 v18, v21  }
0x505: {  	v18 =	vsel vm1, v18, v21;
	v20 =	vsel vm1, v20, v22  }
0x506: {  	(xrf1) =	vsort.dscd.msk.f32 $0xffff, v18, v20;
	_ =	sdelay $0xd  }
0x507: {  	v18, v20, _ =	vpop (xrf1)  }
0x508: {  	v62 =	vbroadcast v18, $0x0;
	_ =	sdelay $0x1  }
0x509: {  	v18 =	vsub.f32 v18, v62;
	_ =	sdelay $0x1  }
0x50a: {  	v18 =	vmul.f32 $1.442695020e+00, v18;
	_ =	sdelay $0x1  }
0x50b: {  	(erf) = vpow2.f32 v18;
	_ =	sdelay $0x8  }
0x50c: {  	v18 =	vpop (erf)  }
0x50d: {  	v18 =	vnsel vm0, $0x0, v18  }
0x50e: {  	(xrf2) =	vadd.scan.msk.f32 $0xffff, v18;
	_ =	sdelay $0x9  }
0x50f: {  	v63, _, _ =	vpop (xrf2)  }
0x510: {  	v21 =	vbroadcast v63, $0xF;
	_ =	sdelay $0x1  }
0x511: {  	v5 =	vmul.f32 v6, v5;
	(erf) = vrcp.f32 v21;
	_ =	sdelay $0x1  }
0x512: {  	[tilespmem:s11+$0x18] =	vst.msk $0xff, v5;
	v5 =	vmul.f32 v9, v8  }
0x513: {  	[tilespmem:s12+$0x18] =	vst.msk $0xff, v4  }
0x514: {  	[tilespmem:s13+$0x18] =	vst.msk $0xff, v5;
	v4 =	vmul.f32 v12, v11  }
0x515: {  	[tilespmem:s14+$0x18] =	vst.msk $0xff, v7  }
0x516: {  	[tilespmem:s15+$0x18] =	vst.msk $0xff, v4;
	v4 =	vmul.f32 v15, v14  }
0x517: {  	[tilespmem:s16+$0x18] =	vst.msk $0xff, v10  }
0x518: {  	[tilespmem:s17+$0x18] =	vst.msk $0xff, v4;
	v4 =	vmul.f32 v19, v16  }
0x519: {  	[tilespmem:s18+$0x18] =	vst.msk $0xff, v13;
	v5 =	vpop (erf)  }
0x51a: {  	[tilespmem:s29+$0x18] =	vst.msk $0xff, v4;
	v4 =	vmul.f32 v5, v18  }
0x51b: {  	[tilespmem:s28+$0x18] =	vst.msk $0xff, v17  }
0x51c: {  	[tilespmem:s1+$0x18] =	vst.msk $0xff, v4  }
0x51d: {  	s7 =	simm.s32 $0x0;
	[tilespmem:s8+$0x18] =	vst.msk $0xff, v20  }
0x51e: {  	s28 =	simm.s32 $0x10000;
	s1 =	simm.s32 $0x1;
	s26 =	rddreg [dreg:$0x4]  }
0x51f: {  	[hbm4b:s26+s7] =	stream.linear.scatter [tilespmem:s28], [sflag:$0x1], $0x2000, $0x38;
	[tilespmem:$0x14100] =	vst v63  }
0x520: {  	_ =	swait.ge [sflag:s1], $0x2000  }
0x521: {  	[sflag:s1] =	ssyncset.done $0x0  }
0x522: {  	s30 =	simm.s32 $0x12080;
	s29 =	rddreg [dreg:$0x5];
	[sflag:s1] =	ssyncadd.s32 $0xFFFFE000  }
0x523: {  	[hbm4b:s29+s7] =	stream.linear.scatter [tilespmem:s30], [sflag:$0x1], $0x2000, $0x38;
	[tilespmem:$0x14100] =	vst v63  }
0x524: {  	_ =	swait.ge [sflag:s1], $0x2000  }
0x525: {  	s10 =	sadd.s32 $0x1, s10;
	s31 =	rddreg [dreg:$0x6]  }
0x526: {  	p0 =	sne.s32 s10, s31  }
.Ltmp1:
0x527: {  	_ = 	snop;
	(pc) =	sbr.rel @p0 .LBB2_1-.Ltmp1, $3  }
0x528: {  	_ =	sdelay $0x1  }
0x529: {  	[sflag:s1] =	ssyncset.done $0x0  }
0x52a: {  	[sflag:s1] =	ssyncadd.s32 $0xFFFFE000  }
0x52b: {  	_ =	sfence.sel $0x180000  }
0x52c: {  	[bflag:$0x0] =	sbarrier.arrive $0xFFFF  }
0x52d: {  	_ =	strace $0x90000047  }
0x52e: {  	s0 =	stileid.u32;
	[bflag:$0x2] =	sbarrier.arrive $0xFFFF  }
0x52f: {  	p0 =	sne.s32 s0, $0x0;
	s0 =	rddreg [dreg:$0x2]  }
0x530: {  	s0 =	sadd.s32 @!p0 $0x100000, s0  }
0x531: {  	[sflag:s0] =	ssyncadd.tile.s32 @!p0 $0x1;
	_ =	shalt  }
.Lfunc_end2:
_tile_overlayer_lowered:
.L_overlay_start_2:
0x532: {  	(tag) =	ssettag $0x2  }
0x533: {  	s0 =	rddreg [dreg:$0x0];
	s2 =	stileid.u32  }
0x534: {  	s1 =	rddreg [dreg:$0x1];
	p0 =	sne.s32 s2, $0x0  }
0x535: {  	s3 =	rddreg [dreg:$0x2];
	[bflag:$0x3] =	sbarrier.arrive $0xFFFF;
	s2 =	simm.s32 @!p0 $0x1C01  }
0x536: {  	[timem:s3], [sflag:s2] =	dma.local @!p0 [hbm:s0], s1  }
0x537: {  	s0 =	simm.s32 @!p0 $0x1  }
0x538: {  	_ =	swait.ge @!p0 [sflag:s0], s1  }
0x539: {  	s1 =	ssub.s32 @!p0 $0x0, s1;
	[sflag:s0] =	ssyncset.done @!p0 $0x0  }
0x53a: {  	[sflag:s0] =	ssyncadd.s32 @!p0 s1  }
0x53b: {  	[bflag:$0x3] =	sbarrier.arrive $0xFFFF  }
0x53c: {  	_ =	shalt  }

</sc_bundles>
